<compile_context>
chip_gen: v7x
topology: tpu7x:2x2x1
jax: 0.10.2.dev20260603
libtpu: 0.0.44.dev20260713+nightly
codegen_flags: <defaults>
</compile_context>

<pallas_src>
import functools

import jax
import jax.numpy as jnp
from jax import lax
from jax.experimental import pallas as pl
from jax.experimental.pallas import tpu as pltpu, tpu_sc as plsc

B, N, C = 8, 1024, 384
K = 8
M = N // 5
MPAD = 256
R = 256
NB = N // R
ROWS = B * M
ROWS_PAD = 2048
AUXW = 128


def _select_body(xf_ref, aux_ref, inds_ref, saux_ref):
    xf = xf_ref[0]
    aux = aux_ref[0]

    x2 = xf * xf
    acc = (x2[:, 0:128] + x2[:, 128:256]) + x2[:, 256:384]
    accT = acc.T
    s8 = accT[0:8, :]
    for kk in range(1, 16):
        s8 = s8 + accT[8 * kk: 8 * kk + 8, :]
    f4s = s8[0:4, :] + s8[4:8, :]
    e2s = f4s[0:2, :] + f4s[2:4, :]
    sq = e2s[0, :] + e2s[1, :]

    g = lax.dot_general(xf, xf, (((1,), (1,)), ((), ())),
                        preferred_element_type=jnp.float32)
    d2 = sq[:, None] + sq[None, :] - 2.0 * g

    mcols, pcols = [], []
    ptot = None
    for _ in range(K):
        m = jnp.min(d2, axis=1, keepdims=True)
        eq = d2 == m
        c = jnp.sum(jnp.where(eq, 1.0, 0.0), axis=1, keepdims=True)
        d2 = jnp.where(eq, jnp.inf, d2)
        mcols.append(m)
        ptot = c if ptot is None else ptot + c
        pcols.append(ptot)
    t = jnp.concatenate(mcols + pcols, axis=1).T
    ms = [t[kk, :] for kk in range(K)]
    ps = [t[K + kk, :] for kk in range(K)]

    vals = []
    for j in range(K):
        vj = ms[K - 1]
        for kk in range(K - 2, -1, -1):
            vj = jnp.where(ps[kk] > float(j), ms[kk], vj)
        vals.append(vj)

    ds = [jnp.sqrt(jnp.maximum(v, 0.0)) for v in vals]
    s = ((ds[0] + ds[4]) + (ds[2] + ds[6])) + ((ds[1] + ds[5]) + (ds[3] + ds[7]))
    dens = s / 8.0

    dcol = dens[:, None]
    drow = dens[None, :]
    ii = lax.broadcasted_iota(jnp.int32, (N, N), 0)
    jj = lax.broadcasted_iota(jnp.int32, (N, N), 1)
    before = (drow > dcol) | ((drow == dcol) & (jj < ii))
    rank = jnp.sum(jnp.where(before, 1.0, 0.0), axis=1, keepdims=True
                   ).astype(jnp.int32)

    mm = lax.broadcasted_iota(jnp.int32, (N, MPAD), 1)
    iv = lax.broadcasted_iota(jnp.int32, (N, MPAD), 0)
    sel = rank == mm
    inds_ref[0, 0, :] = jnp.sum(jnp.where(sel, iv, 0), axis=0)
    onehot = jnp.where(sel, 1.0, 0.0)
    saux_ref[0] = lax.dot_general(onehot, aux, (((0,), (0,)), ((), ())),
                                  preferred_element_type=jnp.float32)


def _tc_topk(features, aux):
    inds, saux = pl.pallas_call(
        _select_body,
        grid=(B,),
        in_specs=[pl.BlockSpec((1, N, C), lambda b: (b, 0, 0)),
                  pl.BlockSpec((1, N, 4), lambda b: (b, 0, 0))],
        out_specs=[pl.BlockSpec((1, 1, MPAD), lambda b: (b, 0, 0)),
                   pl.BlockSpec((1, MPAD, 4), lambda b: (b, 0, 0))],
        out_shape=[jax.ShapeDtypeStruct((B, 1, MPAD), jnp.int32),
                   jax.ShapeDtypeStruct((B, MPAD, 4), jnp.float32)],
    )(features, aux)
    return inds[:, 0, :M], saux


def _sc_gather(feat_table, idx_flat):
    info = plsc.get_sparse_core_info()
    nw = info.num_cores * info.num_subcores
    rows_per_w = ROWS_PAD // nw

    @functools.partial(
        pl.kernel,
        mesh=plsc.VectorSubcoreMesh(core_axis_name="c", subcore_axis_name="s"),
        out_type=jax.ShapeDtypeStruct((ROWS_PAD, C), jnp.float32),
        scratch_types=[
            pltpu.VMEM((rows_per_w,), jnp.int32),
            pltpu.VMEM((rows_per_w // 2, C), jnp.float32),
            pltpu.VMEM((rows_per_w // 2, C), jnp.float32),
            pltpu.SemaphoreType.DMA,
            pltpu.SemaphoreType.DMA,
        ],
    )
    def gather_k(feat_hbm, idx_hbm, out_f_hbm, idx_v, f0_v, f1_v, sem0, sem1):
        wid = lax.axis_index("s") * info.num_cores + lax.axis_index("c")
        base = wid * rows_per_w
        half = rows_per_w // 2
        pltpu.sync_copy(idx_hbm.at[pl.ds(base, rows_per_w)], idx_v)
        g0 = pltpu.async_copy(feat_hbm.at[idx_v.at[pl.ds(0, half)]],
                              f0_v, sem0)
        g1 = pltpu.async_copy(feat_hbm.at[idx_v.at[pl.ds(half, half)]],
                              f1_v, sem1)
        g0.wait()
        s0 = pltpu.async_copy(f0_v, out_f_hbm.at[pl.ds(base, half)], sem0)
        g1.wait()
        s1 = pltpu.async_copy(f1_v, out_f_hbm.at[pl.ds(base + half, half)],
                              sem1)
        s0.wait()
        s1.wait()

    return gather_k(feat_table, idx_flat)


def kernel(features, pos, cam_ids):
    camf = cam_ids.astype(jnp.float32)[:, :, None]
    aux = jnp.concatenate([pos, camf], axis=2)

    inds, saux = _tc_topk(features, aux)

    flat = (inds + (jnp.arange(B, dtype=jnp.int32) * N)[:, None]).reshape(-1)
    idx_flat = jnp.concatenate(
        [flat, jnp.zeros((ROWS_PAD - ROWS,), jnp.int32)])

    out_f = _sc_gather(features.reshape(B * N, C), idx_flat)

    sampled_features = out_f[:ROWS].reshape(B, M, C)
    sampled_pos = saux[:, :M, 0:3]
    sampled_cam = saux[:, :M, 3].astype(jnp.int32)
    return (sampled_features, sampled_pos, sampled_cam)

# --- scband reference (transcript-rebuilt; emitter-appended) ---
"""Pipeline reference for scband-encoder-17282948399460 (READ-ONLY COPY).

The authoritative reference and input builder live on the scoring server;
editing this copy changes nothing except your own understanding.
"""

import jax, jax.numpy as jnp
import numpy as np

SUBSAMPLE_FACTOR = 5
KNN_K = 8
NCAM = 8


def setup_inputs(seed: int = 0) -> dict:
    key = jax.random.key(seed)
    k1, k2, k3 = jax.random.split(key, 3)
    B, N, C = 8, 1024, 384
    features = jax.random.normal(k1, (B, N, C), dtype=jnp.float32)
    pos = jax.random.normal(k2, (B, N, 3), dtype=jnp.float32)
    cam_ids = jax.random.randint(k3, (B, N), 0, NCAM, dtype=jnp.int32)
    return {"features": features, "pos": pos, "cam_ids": cam_ids}


def _cdist(x):
    # torch.cdist(x, x, p=2): pairwise Euclidean distances (B, N, N)
    sq = jnp.sum(x * x, axis=-1)
    d2 = sq[:, :, None] + sq[:, None, :] - 2.0 * jnp.einsum('bnc,bmc->bnm', x, x)
    d2 = jnp.maximum(d2, 0.0)
    return jnp.sqrt(d2)


def density_based_sampler(features, subsample_factor, k=KNN_K):
    B, N, C = features.shape
    dists = _cdist(features)
    # topk smallest -> top_k on negated distances
    neg_knn_vals, _ = jax.lax.top_k(-dists, k)
    knn_dists = -neg_knn_vals
    density = jnp.mean(knn_dists, axis=-1)
    M = int(N // subsample_factor)
    _, sampled_inds = jax.lax.top_k(density, M)
    return sampled_inds


def reference(features, pos, cam_ids):
    # Encoder.run_dps: density-based point subsampling + gathers
    inds = jax.lax.stop_gradient(
        density_based_sampler(features, SUBSAMPLE_FACTOR, KNN_K))  # @torch.no_grad
    sampled_features = jnp.take_along_axis(features, inds[:, :, None], axis=1)
    sampled_cam_ids = jnp.take_along_axis(cam_ids, inds, axis=1)
    sampled_pos = jnp.take_along_axis(pos, inds[:, :, None], axis=1)
    return (sampled_features, sampled_pos, sampled_cam_ids)

if __name__ == "__main__":
    import jax
    _d = setup_inputs()
    print(jax.jit(kernel)(*tuple(_d.values())))

</pallas_src>

<mosaic_0001>
#map = affine_map<(d0, d1) -> (0, 0)>
#map1 = affine_map<(d0, d1) -> (0)>
module attributes {stable_mosaic.version = 14 : i64} {
  func.func @gather_k(%arg0: i32, %arg1: i32, %arg2: memref<8192x384xf32, #tpu.memory_space<hbm>>, %arg3: memref<2048xi32, #tpu.memory_space<hbm>>, %arg4: memref<2048x384xf32, #tpu.memory_space<hbm>>, %arg5: memref<64xi32, #tpu.memory_space<vmem>>, %arg6: memref<32x384xf32, #tpu.memory_space<vmem>>, %arg7: memref<32x384xf32, #tpu.memory_space<vmem>>, %arg8: memref<!tpu.dma_semaphore, #tpu.memory_space<semaphore_mem>>, %arg9: memref<!tpu.dma_semaphore, #tpu.memory_space<semaphore_mem>>) attributes {dimension_semantics = [#tpu.dimension_semantics<core_parallel>, #tpu.dimension_semantics<subcore_parallel>], iteration_bounds = array<i64: 2, 16>, scalar_prefetch = 0 : i64, scratch_operands = 5 : i64, tpu.core_type = #tpu.core_type<sc_vector_subcore>, window_params = [{transform_indices = #map}, {transform_indices = #map1}, {transform_indices = #map}]} {
    %mul3A = arith.constant 2 : i32
    %mul3A_0 = arith.muli %arg1, %mul3A : i32
    %add3A = arith.addi %mul3A_0, %arg0 : i32
    %mul3A_1 = arith.constant 64 : i32
    %mul3A_2 = arith.muli %add3A, %mul3A_1 : i32
    "tpu.region"() ({
      %run_scoped3A = tpu.sem_alloc : memref<!tpu.dma_semaphore, #tpu.memory_space<semaphore_mem>>
      %dma_start3A_39 = tpu.memref_slice %arg3[%mul3A_2] : memref<2048xi32, #tpu.memory_space<hbm>> -> memref<64xi32, #tpu.memory_space<hbm>>
      %dma_start3A_40 = tpu.memref_slice %arg3[%mul3A_2] : memref<2048xi32, #tpu.memory_space<hbm>> -> memref<64xi32, #tpu.memory_space<hbm>>
      tpu.enqueue_dma source(%dma_start3A_40 : memref<64xi32, #tpu.memory_space<hbm>>) target(%arg5 : memref<64xi32, #tpu.memory_space<vmem>>) target_semaphore(%run_scoped3A : memref<!tpu.dma_semaphore, #tpu.memory_space<semaphore_mem>>)
      %dma_wait3A_41 = tpu.memref_slice %arg3[%mul3A_2] : memref<2048xi32, #tpu.memory_space<hbm>> -> memref<64xi32, #tpu.memory_space<hbm>>
      %dma_wait3A_42 = tpu.memref_slice %arg3[%mul3A_2] : memref<2048xi32, #tpu.memory_space<hbm>> -> memref<64xi32, #tpu.memory_space<hbm>>
      tpu.wait_dma2 semaphore(%run_scoped3A : memref<!tpu.dma_semaphore, #tpu.memory_space<semaphore_mem>>) src(%dma_wait3A_42 : memref<64xi32, #tpu.memory_space<hbm>>) dst(%arg5 : memref<64xi32, #tpu.memory_space<vmem>>)
      tpu.yield
    }) : () -> ()
    %dma_start3A = arith.constant 0 : i32
    %dma_start3A_3 = tpu.memref_slice %arg5[%dma_start3A] : memref<64xi32, #tpu.memory_space<vmem>> -> memref<32xi32, #tpu.memory_space<vmem>>
    %dma_start3A_4 = arith.constant 0 : i32
    %dma_start3A_5 = arith.constant 0 : i32
    %dma_start3A_6 = tpu.memref_slice %arg2[%dma_start3A_4, %dma_start3A_5] : memref<8192x384xf32, #tpu.memory_space<hbm>> -> memref<8192x384xf32, #tpu.memory_space<hbm>>
    tpu.enqueue_indirect_dma source(%dma_start3A_6 : memref<8192x384xf32, #tpu.memory_space<hbm>>) target(%arg6 : memref<32x384xf32, #tpu.memory_space<vmem>>) offsets(%dma_start3A_3 : memref<32xi32, #tpu.memory_space<vmem>>) semaphore(%arg8 : memref<!tpu.dma_semaphore, #tpu.memory_space<semaphore_mem>>)
    %dma_start3A_7 = arith.constant 32 : i32
    %dma_start3A_8 = tpu.memref_slice %arg5[%dma_start3A_7] : memref<64xi32, #tpu.memory_space<vmem>> -> memref<32xi32, #tpu.memory_space<vmem>>
    %dma_start3A_9 = arith.constant 0 : i32
    %dma_start3A_10 = arith.constant 0 : i32
    %dma_start3A_11 = tpu.memref_slice %arg2[%dma_start3A_9, %dma_start3A_10] : memref<8192x384xf32, #tpu.memory_space<hbm>> -> memref<8192x384xf32, #tpu.memory_space<hbm>>
    tpu.enqueue_indirect_dma source(%dma_start3A_11 : memref<8192x384xf32, #tpu.memory_space<hbm>>) target(%arg7 : memref<32x384xf32, #tpu.memory_space<vmem>>) offsets(%dma_start3A_8 : memref<32xi32, #tpu.memory_space<vmem>>) semaphore(%arg9 : memref<!tpu.dma_semaphore, #tpu.memory_space<semaphore_mem>>)
    %dma_wait3A = arith.constant 0 : i32
    %dma_wait3A_12 = tpu.memref_slice %arg5[%dma_wait3A] : memref<64xi32, #tpu.memory_space<vmem>> -> memref<32xi32, #tpu.memory_space<vmem>>
    %dma_wait3A_13 = arith.constant 0 : i32
    %dma_wait3A_14 = arith.constant 0 : i32
    %dma_wait3A_15 = tpu.memref_slice %arg2[%dma_wait3A_13, %dma_wait3A_14] : memref<8192x384xf32, #tpu.memory_space<hbm>> -> memref<8192x384xf32, #tpu.memory_space<hbm>>
    tpu.wait_indirect_dma semaphore(%arg8 : memref<!tpu.dma_semaphore, #tpu.memory_space<semaphore_mem>>) src(%dma_wait3A_15 : memref<8192x384xf32, #tpu.memory_space<hbm>>) dst(%arg6 : memref<32x384xf32, #tpu.memory_space<vmem>>)
    %dma_start3A_16 = arith.constant 0 : i32
    %dma_start3A_17 = tpu.memref_slice %arg4[%mul3A_2, %dma_start3A_16] : memref<2048x384xf32, #tpu.memory_space<hbm>> -> memref<32x384xf32, #tpu.memory_space<hbm>>
    %dma_start3A_18 = arith.constant 0 : i32
    %dma_start3A_19 = tpu.memref_slice %arg4[%mul3A_2, %dma_start3A_18] : memref<2048x384xf32, #tpu.memory_space<hbm>> -> memref<32x384xf32, #tpu.memory_space<hbm>>
    tpu.enqueue_dma source(%arg6 : memref<32x384xf32, #tpu.memory_space<vmem>>) target(%dma_start3A_19 : memref<32x384xf32, #tpu.memory_space<hbm>>) target_semaphore(%arg8 : memref<!tpu.dma_semaphore, #tpu.memory_space<semaphore_mem>>)
    %dma_wait3A_20 = arith.constant 32 : i32
    %dma_wait3A_21 = tpu.memref_slice %arg5[%dma_wait3A_20] : memref<64xi32, #tpu.memory_space<vmem>> -> memref<32xi32, #tpu.memory_space<vmem>>
    %dma_wait3A_22 = arith.constant 0 : i32
    %dma_wait3A_23 = arith.constant 0 : i32
    %dma_wait3A_24 = tpu.memref_slice %arg2[%dma_wait3A_22, %dma_wait3A_23] : memref<8192x384xf32, #tpu.memory_space<hbm>> -> memref<8192x384xf32, #tpu.memory_space<hbm>>
    tpu.wait_indirect_dma semaphore(%arg9 : memref<!tpu.dma_semaphore, #tpu.memory_space<semaphore_mem>>) src(%dma_wait3A_24 : memref<8192x384xf32, #tpu.memory_space<hbm>>) dst(%arg7 : memref<32x384xf32, #tpu.memory_space<vmem>>)
    %add3A_25 = arith.constant 32 : i32
    %add3A_26 = arith.addi %mul3A_2, %add3A_25 : i32
    %dma_start3A_27 = arith.constant 0 : i32
    %dma_start3A_28 = tpu.memref_slice %arg4[%add3A_26, %dma_start3A_27] : memref<2048x384xf32, #tpu.memory_space<hbm>> -> memref<32x384xf32, #tpu.memory_space<hbm>>
    %dma_start3A_29 = arith.constant 0 : i32
    %dma_start3A_30 = tpu.memref_slice %arg4[%add3A_26, %dma_start3A_29] : memref<2048x384xf32, #tpu.memory_space<hbm>> -> memref<32x384xf32, #tpu.memory_space<hbm>>
    tpu.enqueue_dma source(%arg7 : memref<32x384xf32, #tpu.memory_space<vmem>>) target(%dma_start3A_30 : memref<32x384xf32, #tpu.memory_space<hbm>>) target_semaphore(%arg9 : memref<!tpu.dma_semaphore, #tpu.memory_space<semaphore_mem>>)
    %dma_wait3A_31 = arith.constant 0 : i32
    %dma_wait3A_32 = tpu.memref_slice %arg4[%mul3A_2, %dma_wait3A_31] : memref<2048x384xf32, #tpu.memory_space<hbm>> -> memref<32x384xf32, #tpu.memory_space<hbm>>
    %dma_wait3A_33 = arith.constant 0 : i32
    %dma_wait3A_34 = tpu.memref_slice %arg4[%mul3A_2, %dma_wait3A_33] : memref<2048x384xf32, #tpu.memory_space<hbm>> -> memref<32x384xf32, #tpu.memory_space<hbm>>
    tpu.wait_dma2 semaphore(%arg8 : memref<!tpu.dma_semaphore, #tpu.memory_space<semaphore_mem>>) src(%arg6 : memref<32x384xf32, #tpu.memory_space<vmem>>) dst(%dma_wait3A_34 : memref<32x384xf32, #tpu.memory_space<hbm>>)
    %dma_wait3A_35 = arith.constant 0 : i32
    %dma_wait3A_36 = tpu.memref_slice %arg4[%add3A_26, %dma_wait3A_35] : memref<2048x384xf32, #tpu.memory_space<hbm>> -> memref<32x384xf32, #tpu.memory_space<hbm>>
    %dma_wait3A_37 = arith.constant 0 : i32
    %dma_wait3A_38 = tpu.memref_slice %arg4[%add3A_26, %dma_wait3A_37] : memref<2048x384xf32, #tpu.memory_space<hbm>> -> memref<32x384xf32, #tpu.memory_space<hbm>>
    tpu.wait_dma2 semaphore(%arg9 : memref<!tpu.dma_semaphore, #tpu.memory_space<semaphore_mem>>) src(%arg7 : memref<32x384xf32, #tpu.memory_space<vmem>>) dst(%dma_wait3A_38 : memref<32x384xf32, #tpu.memory_space<hbm>>)
    return
  }
}

module attributes {stable_mosaic.version = 14 : i64} {
  func.func @_select_body(%arg0: i32, %arg1: memref<1x1024x384xf32, #tpu.memory_space<vmem>>, %arg2: memref<1x1024x4xf32, #tpu.memory_space<vmem>>, %arg3: memref<1x1x256xi32, #tpu.memory_space<vmem>>, %arg4: memref<1x256x4xf32, #tpu.memory_space<vmem>>) attributes {dimension_semantics = [#tpu.dimension_semantics<arbitrary>], iteration_bounds = array<i64: 8>, scalar_prefetch = 0 : i64, scratch_operands = 0 : i64, tpu.core_type = #tpu.core_type<tc>, window_params = [{transform_indices = @transform_0, window_bounds = array<i64: 1, 1024, 384>}, {transform_indices = @transform_1, window_bounds = array<i64: 1, 1024, 4>}, {transform_indices = @transform_2, window_bounds = array<i64: 1, 1, 256>}, {transform_indices = @transform_3, window_bounds = array<i64: 1, 256, 4>}]} {
    %get3A = arith.constant 0 : index
    %get3A_0 = arith.constant 0 : index
    %get3A_1 = arith.constant 0 : index
    %get3A_2 = vector.load %arg1[%get3A, %get3A_0, %get3A_1] : memref<1x1024x384xf32, #tpu.memory_space<vmem>>, vector<1x1024x384xf32>
    %get3A_3 = vector.shape_cast %get3A_2 : vector<1x1024x384xf32> to vector<1024x384xf32>
    %get3A_4 = arith.constant 0 : index
    %get3A_5 = arith.constant 0 : index
    %get3A_6 = arith.constant 0 : index
    %get3A_7 = vector.load %arg2[%get3A_4, %get3A_5, %get3A_6] : memref<1x1024x4xf32, #tpu.memory_space<vmem>>, vector<1x1024x4xf32>
    %get3A_8 = vector.shape_cast %get3A_7 : vector<1x1024x4xf32> to vector<1024x4xf32>
    %mul3A = arith.mulf %get3A_3, %get3A_3 : vector<1024x384xf32>
    %slice3A = vector.extract_strided_slice %mul3A {offsets = [0, 0], sizes = [1024, 128], strides = [1, 1]} : vector<1024x384xf32> to vector<1024x128xf32>
    %slice3A_9 = vector.extract_strided_slice %mul3A {offsets = [0, 128], sizes = [1024, 128], strides = [1, 1]} : vector<1024x384xf32> to vector<1024x128xf32>
    %add3A = arith.addf %slice3A, %slice3A_9 : vector<1024x128xf32>
    %slice3A_10 = vector.extract_strided_slice %mul3A {offsets = [0, 256], sizes = [1024, 128], strides = [1, 1]} : vector<1024x384xf32> to vector<1024x128xf32>
    %add3A_11 = arith.addf %add3A, %slice3A_10 : vector<1024x128xf32>
    %transpose3A = tpu.transpose %add3A_11, [1, 0] : vector<1024x128xf32> -> vector<128x1024xf32>
    %slice3A_12 = vector.extract_strided_slice %transpose3A {offsets = [0, 0], sizes = [8, 1024], strides = [1, 1]} : vector<128x1024xf32> to vector<8x1024xf32>
    %slice3A_13 = vector.extract_strided_slice %transpose3A {offsets = [8, 0], sizes = [8, 1024], strides = [1, 1]} : vector<128x1024xf32> to vector<8x1024xf32>
    %add3A_14 = arith.addf %slice3A_12, %slice3A_13 : vector<8x1024xf32>
    %slice3A_15 = vector.extract_strided_slice %transpose3A {offsets = [16, 0], sizes = [8, 1024], strides = [1, 1]} : vector<128x1024xf32> to vector<8x1024xf32>
    %add3A_16 = arith.addf %add3A_14, %slice3A_15 : vector<8x1024xf32>
    %slice3A_17 = vector.extract_strided_slice %transpose3A {offsets = [24, 0], sizes = [8, 1024], strides = [1, 1]} : vector<128x1024xf32> to vector<8x1024xf32>
    %add3A_18 = arith.addf %add3A_16, %slice3A_17 : vector<8x1024xf32>
    %slice3A_19 = vector.extract_strided_slice %transpose3A {offsets = [32, 0], sizes = [8, 1024], strides = [1, 1]} : vector<128x1024xf32> to vector<8x1024xf32>
    %add3A_20 = arith.addf %add3A_18, %slice3A_19 : vector<8x1024xf32>
    %slice3A_21 = vector.extract_strided_slice %transpose3A {offsets = [40, 0], sizes = [8, 1024], strides = [1, 1]} : vector<128x1024xf32> to vector<8x1024xf32>
    %add3A_22 = arith.addf %add3A_20, %slice3A_21 : vector<8x1024xf32>
    %slice3A_23 = vector.extract_strided_slice %transpose3A {offsets = [48, 0], sizes = [8, 1024], strides = [1, 1]} : vector<128x1024xf32> to vector<8x1024xf32>
    %add3A_24 = arith.addf %add3A_22, %slice3A_23 : vector<8x1024xf32>
    %slice3A_25 = vector.extract_strided_slice %transpose3A {offsets = [56, 0], sizes = [8, 1024], strides = [1, 1]} : vector<128x1024xf32> to vector<8x1024xf32>
    %add3A_26 = arith.addf %add3A_24, %slice3A_25 : vector<8x1024xf32>
    %slice3A_27 = vector.extract_strided_slice %transpose3A {offsets = [64, 0], sizes = [8, 1024], strides = [1, 1]} : vector<128x1024xf32> to vector<8x1024xf32>
    %add3A_28 = arith.addf %add3A_26, %slice3A_27 : vector<8x1024xf32>
    %slice3A_29 = vector.extract_strided_slice %transpose3A {offsets = [72, 0], sizes = [8, 1024], strides = [1, 1]} : vector<128x1024xf32> to vector<8x1024xf32>
    %add3A_30 = arith.addf %add3A_28, %slice3A_29 : vector<8x1024xf32>
    %slice3A_31 = vector.extract_strided_slice %transpose3A {offsets = [80, 0], sizes = [8, 1024], strides = [1, 1]} : vector<128x1024xf32> to vector<8x1024xf32>
    %add3A_32 = arith.addf %add3A_30, %slice3A_31 : vector<8x1024xf32>
    %slice3A_33 = vector.extract_strided_slice %transpose3A {offsets = [88, 0], sizes = [8, 1024], strides = [1, 1]} : vector<128x1024xf32> to vector<8x1024xf32>
    %add3A_34 = arith.addf %add3A_32, %slice3A_33 : vector<8x1024xf32>
    %slice3A_35 = vector.extract_strided_slice %transpose3A {offsets = [96, 0], sizes = [8, 1024], strides = [1, 1]} : vector<128x1024xf32> to vector<8x1024xf32>
    %add3A_36 = arith.addf %add3A_34, %slice3A_35 : vector<8x1024xf32>
    %slice3A_37 = vector.extract_strided_slice %transpose3A {offsets = [104, 0], sizes = [8, 1024], strides = [1, 1]} : vector<128x1024xf32> to vector<8x1024xf32>
    %add3A_38 = arith.addf %add3A_36, %slice3A_37 : vector<8x1024xf32>
    %slice3A_39 = vector.extract_strided_slice %transpose3A {offsets = [112, 0], sizes = [8, 1024], strides = [1, 1]} : vector<128x1024xf32> to vector<8x1024xf32>
    %add3A_40 = arith.addf %add3A_38, %slice3A_39 : vector<8x1024xf32>
    %slice3A_41 = vector.extract_strided_slice %transpose3A {offsets = [120, 0], sizes = [8, 1024], strides = [1, 1]} : vector<128x1024xf32> to vector<8x1024xf32>
    %add3A_42 = arith.addf %add3A_40, %slice3A_41 : vector<8x1024xf32>
    %slice3A_43 = vector.extract_strided_slice %add3A_42 {offsets = [0, 0], sizes = [4, 1024], strides = [1, 1]} : vector<8x1024xf32> to vector<4x1024xf32>
    %slice3A_44 = vector.extract_strided_slice %add3A_42 {offsets = [4, 0], sizes = [4, 1024], strides = [1, 1]} : vector<8x1024xf32> to vector<4x1024xf32>
    %add3A_45 = arith.addf %slice3A_43, %slice3A_44 : vector<4x1024xf32>
    %slice3A_46 = vector.extract_strided_slice %add3A_45 {offsets = [0, 0], sizes = [2, 1024], strides = [1, 1]} : vector<4x1024xf32> to vector<2x1024xf32>
    %slice3A_47 = vector.extract_strided_slice %add3A_45 {offsets = [2, 0], sizes = [2, 1024], strides = [1, 1]} : vector<4x1024xf32> to vector<2x1024xf32>
    %add3A_48 = arith.addf %slice3A_46, %slice3A_47 : vector<2x1024xf32>
    %slice3A_49 = vector.extract_strided_slice %add3A_48 {offsets = [0, 0], sizes = [1, 1024], strides = [1, 1]} : vector<2x1024xf32> to vector<1x1024xf32>
    %squeeze3A = vector.shape_cast %slice3A_49 : vector<1x1024xf32> to vector<1024xf32>
    %slice3A_50 = vector.extract_strided_slice %add3A_48 {offsets = [1, 0], sizes = [1, 1024], strides = [1, 1]} : vector<2x1024xf32> to vector<1x1024xf32>
    %squeeze3A_51 = vector.shape_cast %slice3A_50 : vector<1x1024xf32> to vector<1024xf32>
    %add3A_52 = arith.addf %squeeze3A, %squeeze3A_51 : vector<1024xf32>
    %dot_general3A = arith.constant dense<0.000000e+00> : vector<1024x1024xf32>
    %dot_general3A_53 = tpu.matmul %get3A_3, %get3A_3, %dot_general3A {dimension_numbers = #tpu.dot_dimension_numbers<[1], [1], [0], [0], [0, 0, 1, 0], [], []>, transpose_lhs_hint = false} : vector<1024x384xf32>, vector<1024x384xf32>, vector<1024x1024xf32> -> vector<1024x1024xf32>
    %broadcast_in_dim3A = vector.shape_cast %add3A_52 : vector<1024xf32> to vector<1024x1xf32>
    %broadcast_in_dim3A_54 = vector.shape_cast %add3A_52 : vector<1024xf32> to vector<1x1024xf32>
    %add3A_55 = vector.broadcast %broadcast_in_dim3A : vector<1024x1xf32> to vector<1024x1024xf32>
    %add3A_56 = vector.broadcast %broadcast_in_dim3A_54 : vector<1x1024xf32> to vector<1024x1024xf32>
    %add3A_57 = arith.addf %add3A_55, %add3A_56 : vector<1024x1024xf32>
    %mul3A_58 = arith.constant 2.000000e+00 : f32
    %mul3A_59 = vector.broadcast %mul3A_58 : f32 to vector<1024x1024xf32>
    %mul3A_60 = arith.mulf %mul3A_59, %dot_general3A_53 : vector<1024x1024xf32>
    %sub3A = arith.subf %add3A_57, %mul3A_60 : vector<1024x1024xf32>
    %reduce_min3A = arith.constant dense<0x7F800000> : vector<1024xf32>
    %reduce_min3A_61 = vector.multi_reduction <minimumf>, %sub3A, %reduce_min3A [1] : vector<1024x1024xf32> to vector<1024xf32>
    %broadcast_in_dim3A_62 = vector.shape_cast %reduce_min3A_61 : vector<1024xf32> to vector<1024x1xf32>
    %eq3A = vector.broadcast %broadcast_in_dim3A_62 : vector<1024x1xf32> to vector<1024x1024xf32>
    %eq3A_63 = arith.cmpf oeq, %sub3A, %eq3A : vector<1024x1024xf32>
    %jit3A = arith.constant 1.000000e+00 : f32
    %jit3A_64 = arith.constant 0.000000e+00 : f32
    %broadcast_in_dim3A_65 = vector.broadcast %jit3A : f32 to vector<1024x1024xf32>
    %broadcast_in_dim3A_66 = vector.broadcast %jit3A_64 : f32 to vector<1024x1024xf32>
    %select_n3A = arith.select %eq3A_63, %broadcast_in_dim3A_65, %broadcast_in_dim3A_66 : vector<1024x1024xi1>, vector<1024x1024xf32>
    %reduce_sum3A = arith.constant dense<0.000000e+00> : vector<1024xf32>
    %reduce_sum3A_67 = vector.multi_reduction <add>, %select_n3A, %reduce_sum3A [1] : vector<1024x1024xf32> to vector<1024xf32>
    %broadcast_in_dim3A_68 = vector.shape_cast %reduce_sum3A_67 : vector<1024xf32> to vector<1024x1xf32>
    %jit3A_69 = arith.constant 0x7F800000 : f32
    %broadcast_in_dim3A_70 = vector.broadcast %jit3A_69 : f32 to vector<1024x1024xf32>
    %select_n3A_71 = arith.select %eq3A_63, %broadcast_in_dim3A_70, %sub3A : vector<1024x1024xi1>, vector<1024x1024xf32>
    %reduce_min3A_72 = arith.constant dense<0x7F800000> : vector<1024xf32>
    %reduce_min3A_73 = vector.multi_reduction <minimumf>, %select_n3A_71, %reduce_min3A_72 [1] : vector<1024x1024xf32> to vector<1024xf32>
    %broadcast_in_dim3A_74 = vector.shape_cast %reduce_min3A_73 : vector<1024xf32> to vector<1024x1xf32>
    %eq3A_75 = vector.broadcast %broadcast_in_dim3A_74 : vector<1024x1xf32> to vector<1024x1024xf32>
    %eq3A_76 = arith.cmpf oeq, %select_n3A_71, %eq3A_75 : vector<1024x1024xf32>
    %jit3A_77 = arith.constant 1.000000e+00 : f32
    %jit3A_78 = arith.constant 0.000000e+00 : f32
    %broadcast_in_dim3A_79 = vector.broadcast %jit3A_77 : f32 to vector<1024x1024xf32>
    %broadcast_in_dim3A_80 = vector.broadcast %jit3A_78 : f32 to vector<1024x1024xf32>
    %select_n3A_81 = arith.select %eq3A_76, %broadcast_in_dim3A_79, %broadcast_in_dim3A_80 : vector<1024x1024xi1>, vector<1024x1024xf32>
    %reduce_sum3A_82 = arith.constant dense<0.000000e+00> : vector<1024xf32>
    %reduce_sum3A_83 = vector.multi_reduction <add>, %select_n3A_81, %reduce_sum3A_82 [1] : vector<1024x1024xf32> to vector<1024xf32>
    %broadcast_in_dim3A_84 = vector.shape_cast %reduce_sum3A_83 : vector<1024xf32> to vector<1024x1xf32>
    %jit3A_85 = arith.constant 0x7F800000 : f32
    %broadcast_in_dim3A_86 = vector.broadcast %jit3A_85 : f32 to vector<1024x1024xf32>
    %select_n3A_87 = arith.select %eq3A_76, %broadcast_in_dim3A_86, %select_n3A_71 : vector<1024x1024xi1>, vector<1024x1024xf32>
    %add3A_88 = arith.addf %broadcast_in_dim3A_68, %broadcast_in_dim3A_84 : vector<1024x1xf32>
    %reduce_min3A_89 = arith.constant dense<0x7F800000> : vector<1024xf32>
    %reduce_min3A_90 = vector.multi_reduction <minimumf>, %select_n3A_87, %reduce_min3A_89 [1] : vector<1024x1024xf32> to vector<1024xf32>
    %broadcast_in_dim3A_91 = vector.shape_cast %reduce_min3A_90 : vector<1024xf32> to vector<1024x1xf32>
    %eq3A_92 = vector.broadcast %broadcast_in_dim3A_91 : vector<1024x1xf32> to vector<1024x1024xf32>
    %eq3A_93 = arith.cmpf oeq, %select_n3A_87, %eq3A_92 : vector<1024x1024xf32>
    %jit3A_94 = arith.constant 1.000000e+00 : f32
    %jit3A_95 = arith.constant 0.000000e+00 : f32
    %broadcast_in_dim3A_96 = vector.broadcast %jit3A_94 : f32 to vector<1024x1024xf32>
    %broadcast_in_dim3A_97 = vector.broadcast %jit3A_95 : f32 to vector<1024x1024xf32>
    %select_n3A_98 = arith.select %eq3A_93, %broadcast_in_dim3A_96, %broadcast_in_dim3A_97 : vector<1024x1024xi1>, vector<1024x1024xf32>
    %reduce_sum3A_99 = arith.constant dense<0.000000e+00> : vector<1024xf32>
    %reduce_sum3A_100 = vector.multi_reduction <add>, %select_n3A_98, %reduce_sum3A_99 [1] : vector<1024x1024xf32> to vector<1024xf32>
    %broadcast_in_dim3A_101 = vector.shape_cast %reduce_sum3A_100 : vector<1024xf32> to vector<1024x1xf32>
    %jit3A_102 = arith.constant 0x7F800000 : f32
    %broadcast_in_dim3A_103 = vector.broadcast %jit3A_102 : f32 to vector<1024x1024xf32>
    %select_n3A_104 = arith.select %eq3A_93, %broadcast_in_dim3A_103, %select_n3A_87 : vector<1024x1024xi1>, vector<1024x1024xf32>
    %add3A_105 = arith.addf %add3A_88, %broadcast_in_dim3A_101 : vector<1024x1xf32>
    %reduce_min3A_106 = arith.constant dense<0x7F800000> : vector<1024xf32>
    %reduce_min3A_107 = vector.multi_reduction <minimumf>, %select_n3A_104, %reduce_min3A_106 [1] : vector<1024x1024xf32> to vector<1024xf32>
    %broadcast_in_dim3A_108 = vector.shape_cast %reduce_min3A_107 : vector<1024xf32> to vector<1024x1xf32>
    %eq3A_109 = vector.broadcast %broadcast_in_dim3A_108 : vector<1024x1xf32> to vector<1024x1024xf32>
    %eq3A_110 = arith.cmpf oeq, %select_n3A_104, %eq3A_109 : vector<1024x1024xf32>
    %jit3A_111 = arith.constant 1.000000e+00 : f32
    %jit3A_112 = arith.constant 0.000000e+00 : f32
    %broadcast_in_dim3A_113 = vector.broadcast %jit3A_111 : f32 to vector<1024x1024xf32>
    %broadcast_in_dim3A_114 = vector.broadcast %jit3A_112 : f32 to vector<1024x1024xf32>
    %select_n3A_115 = arith.select %eq3A_110, %broadcast_in_dim3A_113, %broadcast_in_dim3A_114 : vector<1024x1024xi1>, vector<1024x1024xf32>
    %reduce_sum3A_116 = arith.constant dense<0.000000e+00> : vector<1024xf32>
    %reduce_sum3A_117 = vector.multi_reduction <add>, %select_n3A_115, %reduce_sum3A_116 [1] : vector<1024x1024xf32> to vector<1024xf32>
    %broadcast_in_dim3A_118 = vector.shape_cast %reduce_sum3A_117 : vector<1024xf32> to vector<1024x1xf32>
    %jit3A_119 = arith.constant 0x7F800000 : f32
    %broadcast_in_dim3A_120 = vector.broadcast %jit3A_119 : f32 to vector<1024x1024xf32>
    %select_n3A_121 = arith.select %eq3A_110, %broadcast_in_dim3A_120, %select_n3A_104 : vector<1024x1024xi1>, vector<1024x1024xf32>
    %add3A_122 = arith.addf %add3A_105, %broadcast_in_dim3A_118 : vector<1024x1xf32>
    %reduce_min3A_123 = arith.constant dense<0x7F800000> : vector<1024xf32>
    %reduce_min3A_124 = vector.multi_reduction <minimumf>, %select_n3A_121, %reduce_min3A_123 [1] : vector<1024x1024xf32> to vector<1024xf32>
    %broadcast_in_dim3A_125 = vector.shape_cast %reduce_min3A_124 : vector<1024xf32> to vector<1024x1xf32>
    %eq3A_126 = vector.broadcast %broadcast_in_dim3A_125 : vector<1024x1xf32> to vector<1024x1024xf32>
    %eq3A_127 = arith.cmpf oeq, %select_n3A_121, %eq3A_126 : vector<1024x1024xf32>
    %jit3A_128 = arith.constant 1.000000e+00 : f32
    %jit3A_129 = arith.constant 0.000000e+00 : f32
    %broadcast_in_dim3A_130 = vector.broadcast %jit3A_128 : f32 to vector<1024x1024xf32>
    %broadcast_in_dim3A_131 = vector.broadcast %jit3A_129 : f32 to vector<1024x1024xf32>
    %select_n3A_132 = arith.select %eq3A_127, %broadcast_in_dim3A_130, %broadcast_in_dim3A_131 : vector<1024x1024xi1>, vector<1024x1024xf32>
    %reduce_sum3A_133 = arith.constant dense<0.000000e+00> : vector<1024xf32>
    %reduce_sum3A_134 = vector.multi_reduction <add>, %select_n3A_132, %reduce_sum3A_133 [1] : vector<1024x1024xf32> to vector<1024xf32>
    %broadcast_in_dim3A_135 = vector.shape_cast %reduce_sum3A_134 : vector<1024xf32> to vector<1024x1xf32>
    %jit3A_136 = arith.constant 0x7F800000 : f32
    %broadcast_in_dim3A_137 = vector.broadcast %jit3A_136 : f32 to vector<1024x1024xf32>
    %select_n3A_138 = arith.select %eq3A_127, %broadcast_in_dim3A_137, %select_n3A_121 : vector<1024x1024xi1>, vector<1024x1024xf32>
    %add3A_139 = arith.addf %add3A_122, %broadcast_in_dim3A_135 : vector<1024x1xf32>
    %reduce_min3A_140 = arith.constant dense<0x7F800000> : vector<1024xf32>
    %reduce_min3A_141 = vector.multi_reduction <minimumf>, %select_n3A_138, %reduce_min3A_140 [1] : vector<1024x1024xf32> to vector<1024xf32>
    %broadcast_in_dim3A_142 = vector.shape_cast %reduce_min3A_141 : vector<1024xf32> to vector<1024x1xf32>
    %eq3A_143 = vector.broadcast %broadcast_in_dim3A_142 : vector<1024x1xf32> to vector<1024x1024xf32>
    %eq3A_144 = arith.cmpf oeq, %select_n3A_138, %eq3A_143 : vector<1024x1024xf32>
    %jit3A_145 = arith.constant 1.000000e+00 : f32
    %jit3A_146 = arith.constant 0.000000e+00 : f32
    %broadcast_in_dim3A_147 = vector.broadcast %jit3A_145 : f32 to vector<1024x1024xf32>
    %broadcast_in_dim3A_148 = vector.broadcast %jit3A_146 : f32 to vector<1024x1024xf32>
    %select_n3A_149 = arith.select %eq3A_144, %broadcast_in_dim3A_147, %broadcast_in_dim3A_148 : vector<1024x1024xi1>, vector<1024x1024xf32>
    %reduce_sum3A_150 = arith.constant dense<0.000000e+00> : vector<1024xf32>
    %reduce_sum3A_151 = vector.multi_reduction <add>, %select_n3A_149, %reduce_sum3A_150 [1] : vector<1024x1024xf32> to vector<1024xf32>
    %broadcast_in_dim3A_152 = vector.shape_cast %reduce_sum3A_151 : vector<1024xf32> to vector<1024x1xf32>
    %jit3A_153 = arith.constant 0x7F800000 : f32
    %broadcast_in_dim3A_154 = vector.broadcast %jit3A_153 : f32 to vector<1024x1024xf32>
    %select_n3A_155 = arith.select %eq3A_144, %broadcast_in_dim3A_154, %select_n3A_138 : vector<1024x1024xi1>, vector<1024x1024xf32>
    %add3A_156 = arith.addf %add3A_139, %broadcast_in_dim3A_152 : vector<1024x1xf32>
    %reduce_min3A_157 = arith.constant dense<0x7F800000> : vector<1024xf32>
    %reduce_min3A_158 = vector.multi_reduction <minimumf>, %select_n3A_155, %reduce_min3A_157 [1] : vector<1024x1024xf32> to vector<1024xf32>
    %broadcast_in_dim3A_159 = vector.shape_cast %reduce_min3A_158 : vector<1024xf32> to vector<1024x1xf32>
    %eq3A_160 = vector.broadcast %broadcast_in_dim3A_159 : vector<1024x1xf32> to vector<1024x1024xf32>
    %eq3A_161 = arith.cmpf oeq, %select_n3A_155, %eq3A_160 : vector<1024x1024xf32>
    %jit3A_162 = arith.constant 1.000000e+00 : f32
    %jit3A_163 = arith.constant 0.000000e+00 : f32
    %broadcast_in_dim3A_164 = vector.broadcast %jit3A_162 : f32 to vector<1024x1024xf32>
    %broadcast_in_dim3A_165 = vector.broadcast %jit3A_163 : f32 to vector<1024x1024xf32>
    %select_n3A_166 = arith.select %eq3A_161, %broadcast_in_dim3A_164, %broadcast_in_dim3A_165 : vector<1024x1024xi1>, vector<1024x1024xf32>
    %reduce_sum3A_167 = arith.constant dense<0.000000e+00> : vector<1024xf32>
    %reduce_sum3A_168 = vector.multi_reduction <add>, %select_n3A_166, %reduce_sum3A_167 [1] : vector<1024x1024xf32> to vector<1024xf32>
    %broadcast_in_dim3A_169 = vector.shape_cast %reduce_sum3A_168 : vector<1024xf32> to vector<1024x1xf32>
    %jit3A_170 = arith.constant 0x7F800000 : f32
    %broadcast_in_dim3A_171 = vector.broadcast %jit3A_170 : f32 to vector<1024x1024xf32>
    %select_n3A_172 = arith.select %eq3A_161, %broadcast_in_dim3A_171, %select_n3A_155 : vector<1024x1024xi1>, vector<1024x1024xf32>
    %add3A_173 = arith.addf %add3A_156, %broadcast_in_dim3A_169 : vector<1024x1xf32>
    %reduce_min3A_174 = arith.constant dense<0x7F800000> : vector<1024xf32>
    %reduce_min3A_175 = vector.multi_reduction <minimumf>, %select_n3A_172, %reduce_min3A_174 [1] : vector<1024x1024xf32> to vector<1024xf32>
    %broadcast_in_dim3A_176 = vector.shape_cast %reduce_min3A_175 : vector<1024xf32> to vector<1024x1xf32>
    %eq3A_177 = vector.broadcast %broadcast_in_dim3A_176 : vector<1024x1xf32> to vector<1024x1024xf32>
    %eq3A_178 = arith.cmpf oeq, %select_n3A_172, %eq3A_177 : vector<1024x1024xf32>
    %jit3A_179 = arith.constant 1.000000e+00 : f32
    %jit3A_180 = arith.constant 0.000000e+00 : f32
    %broadcast_in_dim3A_181 = vector.broadcast %jit3A_179 : f32 to vector<1024x1024xf32>
    %broadcast_in_dim3A_182 = vector.broadcast %jit3A_180 : f32 to vector<1024x1024xf32>
    %select_n3A_183 = arith.select %eq3A_178, %broadcast_in_dim3A_181, %broadcast_in_dim3A_182 : vector<1024x1024xi1>, vector<1024x1024xf32>
    %reduce_sum3A_184 = arith.constant dense<0.000000e+00> : vector<1024xf32>
    %reduce_sum3A_185 = vector.multi_reduction <add>, %select_n3A_183, %reduce_sum3A_184 [1] : vector<1024x1024xf32> to vector<1024xf32>
    %broadcast_in_dim3A_186 = vector.shape_cast %reduce_sum3A_185 : vector<1024xf32> to vector<1024x1xf32>
    %add3A_187 = arith.addf %add3A_173, %broadcast_in_dim3A_186 : vector<1024x1xf32>
    %concatenate3A = tpu.concatenate %broadcast_in_dim3A_62, %broadcast_in_dim3A_74, %broadcast_in_dim3A_91, %broadcast_in_dim3A_108, %broadcast_in_dim3A_125, %broadcast_in_dim3A_142, %broadcast_in_dim3A_159, %broadcast_in_dim3A_176, %broadcast_in_dim3A_68, %add3A_88, %add3A_105, %add3A_122, %add3A_139, %add3A_156, %add3A_173, %add3A_187 in 1 : vector<1024x1xf32>, vector<1024x1xf32>, vector<1024x1xf32>, vector<1024x1xf32>, vector<1024x1xf32>, vector<1024x1xf32>, vector<1024x1xf32>, vector<1024x1xf32>, vector<1024x1xf32>, vector<1024x1xf32>, vector<1024x1xf32>, vector<1024x1xf32>, vector<1024x1xf32>, vector<1024x1xf32>, vector<1024x1xf32>, vector<1024x1xf32> -> vector<1024x16xf32>
    %transpose3A_188 = tpu.transpose %concatenate3A, [1, 0] : vector<1024x16xf32> -> vector<16x1024xf32>
    %slice3A_189 = vector.extract_strided_slice %transpose3A_188 {offsets = [0, 0], sizes = [1, 1024], strides = [1, 1]} : vector<16x1024xf32> to vector<1x1024xf32>
    %squeeze3A_190 = vector.shape_cast %slice3A_189 : vector<1x1024xf32> to vector<1024xf32>
    %slice3A_191 = vector.extract_strided_slice %transpose3A_188 {offsets = [1, 0], sizes = [1, 1024], strides = [1, 1]} : vector<16x1024xf32> to vector<1x1024xf32>
    %squeeze3A_192 = vector.shape_cast %slice3A_191 : vector<1x1024xf32> to vector<1024xf32>
    %slice3A_193 = vector.extract_strided_slice %transpose3A_188 {offsets = [2, 0], sizes = [1, 1024], strides = [1, 1]} : vector<16x1024xf32> to vector<1x1024xf32>
    %squeeze3A_194 = vector.shape_cast %slice3A_193 : vector<1x1024xf32> to vector<1024xf32>
    %slice3A_195 = vector.extract_strided_slice %transpose3A_188 {offsets = [3, 0], sizes = [1, 1024], strides = [1, 1]} : vector<16x1024xf32> to vector<1x1024xf32>
    %squeeze3A_196 = vector.shape_cast %slice3A_195 : vector<1x1024xf32> to vector<1024xf32>
    %slice3A_197 = vector.extract_strided_slice %transpose3A_188 {offsets = [4, 0], sizes = [1, 1024], strides = [1, 1]} : vector<16x1024xf32> to vector<1x1024xf32>
    %squeeze3A_198 = vector.shape_cast %slice3A_197 : vector<1x1024xf32> to vector<1024xf32>
    %slice3A_199 = vector.extract_strided_slice %transpose3A_188 {offsets = [5, 0], sizes = [1, 1024], strides = [1, 1]} : vector<16x1024xf32> to vector<1x1024xf32>
    %squeeze3A_200 = vector.shape_cast %slice3A_199 : vector<1x1024xf32> to vector<1024xf32>
    %slice3A_201 = vector.extract_strided_slice %transpose3A_188 {offsets = [6, 0], sizes = [1, 1024], strides = [1, 1]} : vector<16x1024xf32> to vector<1x1024xf32>
    %squeeze3A_202 = vector.shape_cast %slice3A_201 : vector<1x1024xf32> to vector<1024xf32>
    %slice3A_203 = vector.extract_strided_slice %transpose3A_188 {offsets = [7, 0], sizes = [1, 1024], strides = [1, 1]} : vector<16x1024xf32> to vector<1x1024xf32>
    %squeeze3A_204 = vector.shape_cast %slice3A_203 : vector<1x1024xf32> to vector<1024xf32>
    %slice3A_205 = vector.extract_strided_slice %transpose3A_188 {offsets = [8, 0], sizes = [1, 1024], strides = [1, 1]} : vector<16x1024xf32> to vector<1x1024xf32>
    %squeeze3A_206 = vector.shape_cast %slice3A_205 : vector<1x1024xf32> to vector<1024xf32>
    %slice3A_207 = vector.extract_strided_slice %transpose3A_188 {offsets = [9, 0], sizes = [1, 1024], strides = [1, 1]} : vector<16x1024xf32> to vector<1x1024xf32>
    %squeeze3A_208 = vector.shape_cast %slice3A_207 : vector<1x1024xf32> to vector<1024xf32>
    %slice3A_209 = vector.extract_strided_slice %transpose3A_188 {offsets = [10, 0], sizes = [1, 1024], strides = [1, 1]} : vector<16x1024xf32> to vector<1x1024xf32>
    %squeeze3A_210 = vector.shape_cast %slice3A_209 : vector<1x1024xf32> to vector<1024xf32>
    %slice3A_211 = vector.extract_strided_slice %transpose3A_188 {offsets = [11, 0], sizes = [1, 1024], strides = [1, 1]} : vector<16x1024xf32> to vector<1x1024xf32>
    %squeeze3A_212 = vector.shape_cast %slice3A_211 : vector<1x1024xf32> to vector<1024xf32>
    %slice3A_213 = vector.extract_strided_slice %transpose3A_188 {offsets = [12, 0], sizes = [1, 1024], strides = [1, 1]} : vector<16x1024xf32> to vector<1x1024xf32>
    %squeeze3A_214 = vector.shape_cast %slice3A_213 : vector<1x1024xf32> to vector<1024xf32>
    %slice3A_215 = vector.extract_strided_slice %transpose3A_188 {offsets = [13, 0], sizes = [1, 1024], strides = [1, 1]} : vector<16x1024xf32> to vector<1x1024xf32>
    %squeeze3A_216 = vector.shape_cast %slice3A_215 : vector<1x1024xf32> to vector<1024xf32>
    %slice3A_217 = vector.extract_strided_slice %transpose3A_188 {offsets = [14, 0], sizes = [1, 1024], strides = [1, 1]} : vector<16x1024xf32> to vector<1x1024xf32>
    %squeeze3A_218 = vector.shape_cast %slice3A_217 : vector<1x1024xf32> to vector<1024xf32>
    %gt3A = arith.constant 0.000000e+00 : f32
    %gt3A_219 = vector.broadcast %gt3A : f32 to vector<1024xf32>
    %gt3A_220 = arith.cmpf ogt, %squeeze3A_218, %gt3A_219 : vector<1024xf32>
    %select_n3A_221 = arith.select %gt3A_220, %squeeze3A_202, %squeeze3A_204 : vector<1024xi1>, vector<1024xf32>
    %gt3A_222 = arith.constant 0.000000e+00 : f32
    %gt3A_223 = vector.broadcast %gt3A_222 : f32 to vector<1024xf32>
    %gt3A_224 = arith.cmpf ogt, %squeeze3A_216, %gt3A_223 : vector<1024xf32>
    %select_n3A_225 = arith.select %gt3A_224, %squeeze3A_200, %select_n3A_221 : vector<1024xi1>, vector<1024xf32>
    %gt3A_226 = arith.constant 0.000000e+00 : f32
    %gt3A_227 = vector.broadcast %gt3A_226 : f32 to vector<1024xf32>
    %gt3A_228 = arith.cmpf ogt, %squeeze3A_214, %gt3A_227 : vector<1024xf32>
    %select_n3A_229 = arith.select %gt3A_228, %squeeze3A_198, %select_n3A_225 : vector<1024xi1>, vector<1024xf32>
    %gt3A_230 = arith.constant 0.000000e+00 : f32
    %gt3A_231 = vector.broadcast %gt3A_230 : f32 to vector<1024xf32>
    %gt3A_232 = arith.cmpf ogt, %squeeze3A_212, %gt3A_231 : vector<1024xf32>
    %select_n3A_233 = arith.select %gt3A_232, %squeeze3A_196, %select_n3A_229 : vector<1024xi1>, vector<1024xf32>
    %gt3A_234 = arith.constant 0.000000e+00 : f32
    %gt3A_235 = vector.broadcast %gt3A_234 : f32 to vector<1024xf32>
    %gt3A_236 = arith.cmpf ogt, %squeeze3A_210, %gt3A_235 : vector<1024xf32>
    %select_n3A_237 = arith.select %gt3A_236, %squeeze3A_194, %select_n3A_233 : vector<1024xi1>, vector<1024xf32>
    %gt3A_238 = arith.constant 0.000000e+00 : f32
    %gt3A_239 = vector.broadcast %gt3A_238 : f32 to vector<1024xf32>
    %gt3A_240 = arith.cmpf ogt, %squeeze3A_208, %gt3A_239 : vector<1024xf32>
    %select_n3A_241 = arith.select %gt3A_240, %squeeze3A_192, %select_n3A_237 : vector<1024xi1>, vector<1024xf32>
    %gt3A_242 = arith.constant 0.000000e+00 : f32
    %gt3A_243 = vector.broadcast %gt3A_242 : f32 to vector<1024xf32>
    %gt3A_244 = arith.cmpf ogt, %squeeze3A_206, %gt3A_243 : vector<1024xf32>
    %select_n3A_245 = arith.select %gt3A_244, %squeeze3A_190, %select_n3A_241 : vector<1024xi1>, vector<1024xf32>
    %gt3A_246 = arith.constant 1.000000e+00 : f32
    %gt3A_247 = vector.broadcast %gt3A_246 : f32 to vector<1024xf32>
    %gt3A_248 = arith.cmpf ogt, %squeeze3A_218, %gt3A_247 : vector<1024xf32>
    %select_n3A_249 = arith.select %gt3A_248, %squeeze3A_202, %squeeze3A_204 : vector<1024xi1>, vector<1024xf32>
    %gt3A_250 = arith.constant 1.000000e+00 : f32
    %gt3A_251 = vector.broadcast %gt3A_250 : f32 to vector<1024xf32>
    %gt3A_252 = arith.cmpf ogt, %squeeze3A_216, %gt3A_251 : vector<1024xf32>
    %select_n3A_253 = arith.select %gt3A_252, %squeeze3A_200, %select_n3A_249 : vector<1024xi1>, vector<1024xf32>
    %gt3A_254 = arith.constant 1.000000e+00 : f32
    %gt3A_255 = vector.broadcast %gt3A_254 : f32 to vector<1024xf32>
    %gt3A_256 = arith.cmpf ogt, %squeeze3A_214, %gt3A_255 : vector<1024xf32>
    %select_n3A_257 = arith.select %gt3A_256, %squeeze3A_198, %select_n3A_253 : vector<1024xi1>, vector<1024xf32>
    %gt3A_258 = arith.constant 1.000000e+00 : f32
    %gt3A_259 = vector.broadcast %gt3A_258 : f32 to vector<1024xf32>
    %gt3A_260 = arith.cmpf ogt, %squeeze3A_212, %gt3A_259 : vector<1024xf32>
    %select_n3A_261 = arith.select %gt3A_260, %squeeze3A_196, %select_n3A_257 : vector<1024xi1>, vector<1024xf32>
    %gt3A_262 = arith.constant 1.000000e+00 : f32
    %gt3A_263 = vector.broadcast %gt3A_262 : f32 to vector<1024xf32>
    %gt3A_264 = arith.cmpf ogt, %squeeze3A_210, %gt3A_263 : vector<1024xf32>
    %select_n3A_265 = arith.select %gt3A_264, %squeeze3A_194, %select_n3A_261 : vector<1024xi1>, vector<1024xf32>
    %gt3A_266 = arith.constant 1.000000e+00 : f32
    %gt3A_267 = vector.broadcast %gt3A_266 : f32 to vector<1024xf32>
    %gt3A_268 = arith.cmpf ogt, %squeeze3A_208, %gt3A_267 : vector<1024xf32>
    %select_n3A_269 = arith.select %gt3A_268, %squeeze3A_192, %select_n3A_265 : vector<1024xi1>, vector<1024xf32>
    %gt3A_270 = arith.constant 1.000000e+00 : f32
    %gt3A_271 = vector.broadcast %gt3A_270 : f32 to vector<1024xf32>
    %gt3A_272 = arith.cmpf ogt, %squeeze3A_206, %gt3A_271 : vector<1024xf32>
    %select_n3A_273 = arith.select %gt3A_272, %squeeze3A_190, %select_n3A_269 : vector<1024xi1>, vector<1024xf32>
    %gt3A_274 = arith.constant 2.000000e+00 : f32
    %gt3A_275 = vector.broadcast %gt3A_274 : f32 to vector<1024xf32>
    %gt3A_276 = arith.cmpf ogt, %squeeze3A_218, %gt3A_275 : vector<1024xf32>
    %select_n3A_277 = arith.select %gt3A_276, %squeeze3A_202, %squeeze3A_204 : vector<1024xi1>, vector<1024xf32>
    %gt3A_278 = arith.constant 2.000000e+00 : f32
    %gt3A_279 = vector.broadcast %gt3A_278 : f32 to vector<1024xf32>
    %gt3A_280 = arith.cmpf ogt, %squeeze3A_216, %gt3A_279 : vector<1024xf32>
    %select_n3A_281 = arith.select %gt3A_280, %squeeze3A_200, %select_n3A_277 : vector<1024xi1>, vector<1024xf32>
    %gt3A_282 = arith.constant 2.000000e+00 : f32
    %gt3A_283 = vector.broadcast %gt3A_282 : f32 to vector<1024xf32>
    %gt3A_284 = arith.cmpf ogt, %squeeze3A_214, %gt3A_283 : vector<1024xf32>
    %select_n3A_285 = arith.select %gt3A_284, %squeeze3A_198, %select_n3A_281 : vector<1024xi1>, vector<1024xf32>
    %gt3A_286 = arith.constant 2.000000e+00 : f32
    %gt3A_287 = vector.broadcast %gt3A_286 : f32 to vector<1024xf32>
    %gt3A_288 = arith.cmpf ogt, %squeeze3A_212, %gt3A_287 : vector<1024xf32>
    %select_n3A_289 = arith.select %gt3A_288, %squeeze3A_196, %select_n3A_285 : vector<1024xi1>, vector<1024xf32>
    %gt3A_290 = arith.constant 2.000000e+00 : f32
    %gt3A_291 = vector.broadcast %gt3A_290 : f32 to vector<1024xf32>
    %gt3A_292 = arith.cmpf ogt, %squeeze3A_210, %gt3A_291 : vector<1024xf32>
    %select_n3A_293 = arith.select %gt3A_292, %squeeze3A_194, %select_n3A_289 : vector<1024xi1>, vector<1024xf32>
    %gt3A_294 = arith.constant 2.000000e+00 : f32
    %gt3A_295 = vector.broadcast %gt3A_294 : f32 to vector<1024xf32>
    %gt3A_296 = arith.cmpf ogt, %squeeze3A_208, %gt3A_295 : vector<1024xf32>
    %select_n3A_297 = arith.select %gt3A_296, %squeeze3A_192, %select_n3A_293 : vector<1024xi1>, vector<1024xf32>
    %gt3A_298 = arith.constant 2.000000e+00 : f32
    %gt3A_299 = vector.broadcast %gt3A_298 : f32 to vector<1024xf32>
    %gt3A_300 = arith.cmpf ogt, %squeeze3A_206, %gt3A_299 : vector<1024xf32>
    %select_n3A_301 = arith.select %gt3A_300, %squeeze3A_190, %select_n3A_297 : vector<1024xi1>, vector<1024xf32>
    %gt3A_302 = arith.constant 3.000000e+00 : f32
    %gt3A_303 = vector.broadcast %gt3A_302 : f32 to vector<1024xf32>
    %gt3A_304 = arith.cmpf ogt, %squeeze3A_218, %gt3A_303 : vector<1024xf32>
    %select_n3A_305 = arith.select %gt3A_304, %squeeze3A_202, %squeeze3A_204 : vector<1024xi1>, vector<1024xf32>
    %gt3A_306 = arith.constant 3.000000e+00 : f32
    %gt3A_307 = vector.broadcast %gt3A_306 : f32 to vector<1024xf32>
    %gt3A_308 = arith.cmpf ogt, %squeeze3A_216, %gt3A_307 : vector<1024xf32>
    %select_n3A_309 = arith.select %gt3A_308, %squeeze3A_200, %select_n3A_305 : vector<1024xi1>, vector<1024xf32>
    %gt3A_310 = arith.constant 3.000000e+00 : f32
    %gt3A_311 = vector.broadcast %gt3A_310 : f32 to vector<1024xf32>
    %gt3A_312 = arith.cmpf ogt, %squeeze3A_214, %gt3A_311 : vector<1024xf32>
    %select_n3A_313 = arith.select %gt3A_312, %squeeze3A_198, %select_n3A_309 : vector<1024xi1>, vector<1024xf32>
    %gt3A_314 = arith.constant 3.000000e+00 : f32
    %gt3A_315 = vector.broadcast %gt3A_314 : f32 to vector<1024xf32>
    %gt3A_316 = arith.cmpf ogt, %squeeze3A_212, %gt3A_315 : vector<1024xf32>
    %select_n3A_317 = arith.select %gt3A_316, %squeeze3A_196, %select_n3A_313 : vector<1024xi1>, vector<1024xf32>
    %gt3A_318 = arith.constant 3.000000e+00 : f32
    %gt3A_319 = vector.broadcast %gt3A_318 : f32 to vector<1024xf32>
    %gt3A_320 = arith.cmpf ogt, %squeeze3A_210, %gt3A_319 : vector<1024xf32>
    %select_n3A_321 = arith.select %gt3A_320, %squeeze3A_194, %select_n3A_317 : vector<1024xi1>, vector<1024xf32>
    %gt3A_322 = arith.constant 3.000000e+00 : f32
    %gt3A_323 = vector.broadcast %gt3A_322 : f32 to vector<1024xf32>
    %gt3A_324 = arith.cmpf ogt, %squeeze3A_208, %gt3A_323 : vector<1024xf32>
    %select_n3A_325 = arith.select %gt3A_324, %squeeze3A_192, %select_n3A_321 : vector<1024xi1>, vector<1024xf32>
    %gt3A_326 = arith.constant 3.000000e+00 : f32
    %gt3A_327 = vector.broadcast %gt3A_326 : f32 to vector<1024xf32>
    %gt3A_328 = arith.cmpf ogt, %squeeze3A_206, %gt3A_327 : vector<1024xf32>
    %select_n3A_329 = arith.select %gt3A_328, %squeeze3A_190, %select_n3A_325 : vector<1024xi1>, vector<1024xf32>
    %gt3A_330 = arith.constant 4.000000e+00 : f32
    %gt3A_331 = vector.broadcast %gt3A_330 : f32 to vector<1024xf32>
    %gt3A_332 = arith.cmpf ogt, %squeeze3A_218, %gt3A_331 : vector<1024xf32>
    %select_n3A_333 = arith.select %gt3A_332, %squeeze3A_202, %squeeze3A_204 : vector<1024xi1>, vector<1024xf32>
    %gt3A_334 = arith.constant 4.000000e+00 : f32
    %gt3A_335 = vector.broadcast %gt3A_334 : f32 to vector<1024xf32>
    %gt3A_336 = arith.cmpf ogt, %squeeze3A_216, %gt3A_335 : vector<1024xf32>
    %select_n3A_337 = arith.select %gt3A_336, %squeeze3A_200, %select_n3A_333 : vector<1024xi1>, vector<1024xf32>
    %gt3A_338 = arith.constant 4.000000e+00 : f32
    %gt3A_339 = vector.broadcast %gt3A_338 : f32 to vector<1024xf32>
    %gt3A_340 = arith.cmpf ogt, %squeeze3A_214, %gt3A_339 : vector<1024xf32>
    %select_n3A_341 = arith.select %gt3A_340, %squeeze3A_198, %select_n3A_337 : vector<1024xi1>, vector<1024xf32>
    %gt3A_342 = arith.constant 4.000000e+00 : f32
    %gt3A_343 = vector.broadcast %gt3A_342 : f32 to vector<1024xf32>
    %gt3A_344 = arith.cmpf ogt, %squeeze3A_212, %gt3A_343 : vector<1024xf32>
    %select_n3A_345 = arith.select %gt3A_344, %squeeze3A_196, %select_n3A_341 : vector<1024xi1>, vector<1024xf32>
    %gt3A_346 = arith.constant 4.000000e+00 : f32
    %gt3A_347 = vector.broadcast %gt3A_346 : f32 to vector<1024xf32>
    %gt3A_348 = arith.cmpf ogt, %squeeze3A_210, %gt3A_347 : vector<1024xf32>
    %select_n3A_349 = arith.select %gt3A_348, %squeeze3A_194, %select_n3A_345 : vector<1024xi1>, vector<1024xf32>
    %gt3A_350 = arith.constant 4.000000e+00 : f32
    %gt3A_351 = vector.broadcast %gt3A_350 : f32 to vector<1024xf32>
    %gt3A_352 = arith.cmpf ogt, %squeeze3A_208, %gt3A_351 : vector<1024xf32>
    %select_n3A_353 = arith.select %gt3A_352, %squeeze3A_192, %select_n3A_349 : vector<1024xi1>, vector<1024xf32>
    %gt3A_354 = arith.constant 4.000000e+00 : f32
    %gt3A_355 = vector.broadcast %gt3A_354 : f32 to vector<1024xf32>
    %gt3A_356 = arith.cmpf ogt, %squeeze3A_206, %gt3A_355 : vector<1024xf32>
    %select_n3A_357 = arith.select %gt3A_356, %squeeze3A_190, %select_n3A_353 : vector<1024xi1>, vector<1024xf32>
    %gt3A_358 = arith.constant 5.000000e+00 : f32
    %gt3A_359 = vector.broadcast %gt3A_358 : f32 to vector<1024xf32>
    %gt3A_360 = arith.cmpf ogt, %squeeze3A_218, %gt3A_359 : vector<1024xf32>
    %select_n3A_361 = arith.select %gt3A_360, %squeeze3A_202, %squeeze3A_204 : vector<1024xi1>, vector<1024xf32>
    %gt3A_362 = arith.constant 5.000000e+00 : f32
    %gt3A_363 = vector.broadcast %gt3A_362 : f32 to vector<1024xf32>
    %gt3A_364 = arith.cmpf ogt, %squeeze3A_216, %gt3A_363 : vector<1024xf32>
    %select_n3A_365 = arith.select %gt3A_364, %squeeze3A_200, %select_n3A_361 : vector<1024xi1>, vector<1024xf32>
    %gt3A_366 = arith.constant 5.000000e+00 : f32
    %gt3A_367 = vector.broadcast %gt3A_366 : f32 to vector<1024xf32>
    %gt3A_368 = arith.cmpf ogt, %squeeze3A_214, %gt3A_367 : vector<1024xf32>
    %select_n3A_369 = arith.select %gt3A_368, %squeeze3A_198, %select_n3A_365 : vector<1024xi1>, vector<1024xf32>
    %gt3A_370 = arith.constant 5.000000e+00 : f32
    %gt3A_371 = vector.broadcast %gt3A_370 : f32 to vector<1024xf32>
    %gt3A_372 = arith.cmpf ogt, %squeeze3A_212, %gt3A_371 : vector<1024xf32>
    %select_n3A_373 = arith.select %gt3A_372, %squeeze3A_196, %select_n3A_369 : vector<1024xi1>, vector<1024xf32>
    %gt3A_374 = arith.constant 5.000000e+00 : f32
    %gt3A_375 = vector.broadcast %gt3A_374 : f32 to vector<1024xf32>
    %gt3A_376 = arith.cmpf ogt, %squeeze3A_210, %gt3A_375 : vector<1024xf32>
    %select_n3A_377 = arith.select %gt3A_376, %squeeze3A_194, %select_n3A_373 : vector<1024xi1>, vector<1024xf32>
    %gt3A_378 = arith.constant 5.000000e+00 : f32
    %gt3A_379 = vector.broadcast %gt3A_378 : f32 to vector<1024xf32>
    %gt3A_380 = arith.cmpf ogt, %squeeze3A_208, %gt3A_379 : vector<1024xf32>
    %select_n3A_381 = arith.select %gt3A_380, %squeeze3A_192, %select_n3A_377 : vector<1024xi1>, vector<1024xf32>
    %gt3A_382 = arith.constant 5.000000e+00 : f32
    %gt3A_383 = vector.broadcast %gt3A_382 : f32 to vector<1024xf32>
    %gt3A_384 = arith.cmpf ogt, %squeeze3A_206, %gt3A_383 : vector<1024xf32>
    %select_n3A_385 = arith.select %gt3A_384, %squeeze3A_190, %select_n3A_381 : vector<1024xi1>, vector<1024xf32>
    %gt3A_386 = arith.constant 6.000000e+00 : f32
    %gt3A_387 = vector.broadcast %gt3A_386 : f32 to vector<1024xf32>
    %gt3A_388 = arith.cmpf ogt, %squeeze3A_218, %gt3A_387 : vector<1024xf32>
    %select_n3A_389 = arith.select %gt3A_388, %squeeze3A_202, %squeeze3A_204 : vector<1024xi1>, vector<1024xf32>
    %gt3A_390 = arith.constant 6.000000e+00 : f32
    %gt3A_391 = vector.broadcast %gt3A_390 : f32 to vector<1024xf32>
    %gt3A_392 = arith.cmpf ogt, %squeeze3A_216, %gt3A_391 : vector<1024xf32>
    %select_n3A_393 = arith.select %gt3A_392, %squeeze3A_200, %select_n3A_389 : vector<1024xi1>, vector<1024xf32>
    %gt3A_394 = arith.constant 6.000000e+00 : f32
    %gt3A_395 = vector.broadcast %gt3A_394 : f32 to vector<1024xf32>
    %gt3A_396 = arith.cmpf ogt, %squeeze3A_214, %gt3A_395 : vector<1024xf32>
    %select_n3A_397 = arith.select %gt3A_396, %squeeze3A_198, %select_n3A_393 : vector<1024xi1>, vector<1024xf32>
    %gt3A_398 = arith.constant 6.000000e+00 : f32
    %gt3A_399 = vector.broadcast %gt3A_398 : f32 to vector<1024xf32>
    %gt3A_400 = arith.cmpf ogt, %squeeze3A_212, %gt3A_399 : vector<1024xf32>
    %select_n3A_401 = arith.select %gt3A_400, %squeeze3A_196, %select_n3A_397 : vector<1024xi1>, vector<1024xf32>
    %gt3A_402 = arith.constant 6.000000e+00 : f32
    %gt3A_403 = vector.broadcast %gt3A_402 : f32 to vector<1024xf32>
    %gt3A_404 = arith.cmpf ogt, %squeeze3A_210, %gt3A_403 : vector<1024xf32>
    %select_n3A_405 = arith.select %gt3A_404, %squeeze3A_194, %select_n3A_401 : vector<1024xi1>, vector<1024xf32>
    %gt3A_406 = arith.constant 6.000000e+00 : f32
    %gt3A_407 = vector.broadcast %gt3A_406 : f32 to vector<1024xf32>
    %gt3A_408 = arith.cmpf ogt, %squeeze3A_208, %gt3A_407 : vector<1024xf32>
    %select_n3A_409 = arith.select %gt3A_408, %squeeze3A_192, %select_n3A_405 : vector<1024xi1>, vector<1024xf32>
    %gt3A_410 = arith.constant 6.000000e+00 : f32
    %gt3A_411 = vector.broadcast %gt3A_410 : f32 to vector<1024xf32>
    %gt3A_412 = arith.cmpf ogt, %squeeze3A_206, %gt3A_411 : vector<1024xf32>
    %select_n3A_413 = arith.select %gt3A_412, %squeeze3A_190, %select_n3A_409 : vector<1024xi1>, vector<1024xf32>
    %gt3A_414 = arith.constant 7.000000e+00 : f32
    %gt3A_415 = vector.broadcast %gt3A_414 : f32 to vector<1024xf32>
    %gt3A_416 = arith.cmpf ogt, %squeeze3A_218, %gt3A_415 : vector<1024xf32>
    %select_n3A_417 = arith.select %gt3A_416, %squeeze3A_202, %squeeze3A_204 : vector<1024xi1>, vector<1024xf32>
    %gt3A_418 = arith.constant 7.000000e+00 : f32
    %gt3A_419 = vector.broadcast %gt3A_418 : f32 to vector<1024xf32>
    %gt3A_420 = arith.cmpf ogt, %squeeze3A_216, %gt3A_419 : vector<1024xf32>
    %select_n3A_421 = arith.select %gt3A_420, %squeeze3A_200, %select_n3A_417 : vector<1024xi1>, vector<1024xf32>
    %gt3A_422 = arith.constant 7.000000e+00 : f32
    %gt3A_423 = vector.broadcast %gt3A_422 : f32 to vector<1024xf32>
    %gt3A_424 = arith.cmpf ogt, %squeeze3A_214, %gt3A_423 : vector<1024xf32>
    %select_n3A_425 = arith.select %gt3A_424, %squeeze3A_198, %select_n3A_421 : vector<1024xi1>, vector<1024xf32>
    %gt3A_426 = arith.constant 7.000000e+00 : f32
    %gt3A_427 = vector.broadcast %gt3A_426 : f32 to vector<1024xf32>
    %gt3A_428 = arith.cmpf ogt, %squeeze3A_212, %gt3A_427 : vector<1024xf32>
    %select_n3A_429 = arith.select %gt3A_428, %squeeze3A_196, %select_n3A_425 : vector<1024xi1>, vector<1024xf32>
    %gt3A_430 = arith.constant 7.000000e+00 : f32
    %gt3A_431 = vector.broadcast %gt3A_430 : f32 to vector<1024xf32>
    %gt3A_432 = arith.cmpf ogt, %squeeze3A_210, %gt3A_431 : vector<1024xf32>
    %select_n3A_433 = arith.select %gt3A_432, %squeeze3A_194, %select_n3A_429 : vector<1024xi1>, vector<1024xf32>
    %gt3A_434 = arith.constant 7.000000e+00 : f32
    %gt3A_435 = vector.broadcast %gt3A_434 : f32 to vector<1024xf32>
    %gt3A_436 = arith.cmpf ogt, %squeeze3A_208, %gt3A_435 : vector<1024xf32>
    %select_n3A_437 = arith.select %gt3A_436, %squeeze3A_192, %select_n3A_433 : vector<1024xi1>, vector<1024xf32>
    %gt3A_438 = arith.constant 7.000000e+00 : f32
    %gt3A_439 = vector.broadcast %gt3A_438 : f32 to vector<1024xf32>
    %gt3A_440 = arith.cmpf ogt, %squeeze3A_206, %gt3A_439 : vector<1024xf32>
    %select_n3A_441 = arith.select %gt3A_440, %squeeze3A_190, %select_n3A_437 : vector<1024xi1>, vector<1024xf32>
    %max3A = arith.constant 0.000000e+00 : f32
    %max3A_442 = vector.broadcast %max3A : f32 to vector<1024xf32>
    %max3A_443 = arith.maximumf %select_n3A_245, %max3A_442 : vector<1024xf32>
    %sqrt3A = math.sqrt %max3A_443 : vector<1024xf32>
    %max3A_444 = arith.constant 0.000000e+00 : f32
    %max3A_445 = vector.broadcast %max3A_444 : f32 to vector<1024xf32>
    %max3A_446 = arith.maximumf %select_n3A_273, %max3A_445 : vector<1024xf32>
    %sqrt3A_447 = math.sqrt %max3A_446 : vector<1024xf32>
    %max3A_448 = arith.constant 0.000000e+00 : f32
    %max3A_449 = vector.broadcast %max3A_448 : f32 to vector<1024xf32>
    %max3A_450 = arith.maximumf %select_n3A_301, %max3A_449 : vector<1024xf32>
    %sqrt3A_451 = math.sqrt %max3A_450 : vector<1024xf32>
    %max3A_452 = arith.constant 0.000000e+00 : f32
    %max3A_453 = vector.broadcast %max3A_452 : f32 to vector<1024xf32>
    %max3A_454 = arith.maximumf %select_n3A_329, %max3A_453 : vector<1024xf32>
    %sqrt3A_455 = math.sqrt %max3A_454 : vector<1024xf32>
    %max3A_456 = arith.constant 0.000000e+00 : f32
    %max3A_457 = vector.broadcast %max3A_456 : f32 to vector<1024xf32>
    %max3A_458 = arith.maximumf %select_n3A_357, %max3A_457 : vector<1024xf32>
    %sqrt3A_459 = math.sqrt %max3A_458 : vector<1024xf32>
    %max3A_460 = arith.constant 0.000000e+00 : f32
    %max3A_461 = vector.broadcast %max3A_460 : f32 to vector<1024xf32>
    %max3A_462 = arith.maximumf %select_n3A_385, %max3A_461 : vector<1024xf32>
    %sqrt3A_463 = math.sqrt %max3A_462 : vector<1024xf32>
    %max3A_464 = arith.constant 0.000000e+00 : f32
    %max3A_465 = vector.broadcast %max3A_464 : f32 to vector<1024xf32>
    %max3A_466 = arith.maximumf %select_n3A_413, %max3A_465 : vector<1024xf32>
    %sqrt3A_467 = math.sqrt %max3A_466 : vector<1024xf32>
    %max3A_468 = arith.constant 0.000000e+00 : f32
    %max3A_469 = vector.broadcast %max3A_468 : f32 to vector<1024xf32>
    %max3A_470 = arith.maximumf %select_n3A_441, %max3A_469 : vector<1024xf32>
    %sqrt3A_471 = math.sqrt %max3A_470 : vector<1024xf32>
    %add3A_472 = arith.addf %sqrt3A, %sqrt3A_459 : vector<1024xf32>
    %add3A_473 = arith.addf %sqrt3A_451, %sqrt3A_467 : vector<1024xf32>
    %add3A_474 = arith.addf %add3A_472, %add3A_473 : vector<1024xf32>
    %add3A_475 = arith.addf %sqrt3A_447, %sqrt3A_463 : vector<1024xf32>
    %add3A_476 = arith.addf %sqrt3A_455, %sqrt3A_471 : vector<1024xf32>
    %add3A_477 = arith.addf %add3A_475, %add3A_476 : vector<1024xf32>
    %add3A_478 = arith.addf %add3A_474, %add3A_477 : vector<1024xf32>
    %div3A = arith.constant 8.000000e+00 : f32
    %div3A_479 = vector.broadcast %div3A : f32 to vector<1024xf32>
    %div3A_480 = arith.divf %add3A_478, %div3A_479 : vector<1024xf32>
    %broadcast_in_dim3A_481 = vector.shape_cast %div3A_480 : vector<1024xf32> to vector<1024x1xf32>
    %broadcast_in_dim3A_482 = vector.shape_cast %div3A_480 : vector<1024xf32> to vector<1x1024xf32>
    %iota3A = tpu.iota {dimensions = array<i32: 0>} : vector<1024x1024xi32>
    %iota3A_483 = tpu.iota {dimensions = array<i32: 1>} : vector<1024x1024xi32>
    %gt3A_484 = vector.broadcast %broadcast_in_dim3A_482 : vector<1x1024xf32> to vector<1024x1024xf32>
    %gt3A_485 = vector.broadcast %broadcast_in_dim3A_481 : vector<1024x1xf32> to vector<1024x1024xf32>
    %gt3A_486 = arith.cmpf ogt, %gt3A_484, %gt3A_485 : vector<1024x1024xf32>
    %eq3A_487 = vector.broadcast %broadcast_in_dim3A_482 : vector<1x1024xf32> to vector<1024x1024xf32>
    %eq3A_488 = vector.broadcast %broadcast_in_dim3A_481 : vector<1024x1xf32> to vector<1024x1024xf32>
    %eq3A_489 = arith.cmpf oeq, %eq3A_487, %eq3A_488 : vector<1024x1024xf32>
    %lt3A = arith.cmpi slt, %iota3A_483, %iota3A : vector<1024x1024xi32>
    %and3A = arith.andi %eq3A_489, %lt3A : vector<1024x1024xi1>
    %or3A = arith.ori %gt3A_486, %and3A : vector<1024x1024xi1>
    %jit3A_490 = arith.constant 1.000000e+00 : f32
    %jit3A_491 = arith.constant 0.000000e+00 : f32
    %broadcast_in_dim3A_492 = vector.broadcast %jit3A_490 : f32 to vector<1024x1024xf32>
    %broadcast_in_dim3A_493 = vector.broadcast %jit3A_491 : f32 to vector<1024x1024xf32>
    %select_n3A_494 = arith.select %or3A, %broadcast_in_dim3A_492, %broadcast_in_dim3A_493 : vector<1024x1024xi1>, vector<1024x1024xf32>
    %reduce_sum3A_495 = arith.constant dense<0.000000e+00> : vector<1024xf32>
    %reduce_sum3A_496 = vector.multi_reduction <add>, %select_n3A_494, %reduce_sum3A_495 [1] : vector<1024x1024xf32> to vector<1024xf32>
    %broadcast_in_dim3A_497 = vector.shape_cast %reduce_sum3A_496 : vector<1024xf32> to vector<1024x1xf32>
    %convert_element_type3A = arith.fptosi %broadcast_in_dim3A_497 : vector<1024x1xf32> to vector<1024x1xi32>
    %iota3A_498 = tpu.iota {dimensions = array<i32: 1>} : vector<1024x256xi32>
    %iota3A_499 = tpu.iota {dimensions = array<i32: 0>} : vector<1024x256xi32>
    %eq3A_500 = vector.broadcast %convert_element_type3A : vector<1024x1xi32> to vector<1024x256xi32>
    %eq3A_501 = arith.cmpi eq, %eq3A_500, %iota3A_498 : vector<1024x256xi32>
    %jit3A_502 = arith.constant 0 : i32
    %broadcast_in_dim3A_503 = vector.broadcast %jit3A_502 : i32 to vector<1024x256xi32>
    %select_n3A_504 = arith.select %eq3A_501, %iota3A_499, %broadcast_in_dim3A_503 : vector<1024x256xi1>, vector<1024x256xi32>
    %reduce_sum3A_505 = arith.constant dense<0> : vector<256xi32>
    %reduce_sum3A_506 = vector.multi_reduction <add>, %select_n3A_504, %reduce_sum3A_505 [0] : vector<1024x256xi32> to vector<256xi32>
    %swap3A = arith.constant 0 : index
    %swap3A_507 = arith.constant 0 : index
    %swap3A_508 = arith.constant 0 : index
    %swap3A_509 = vector.load %arg3[%swap3A, %swap3A_507, %swap3A_508] : memref<1x1x256xi32, #tpu.memory_space<vmem>>, vector<1x1x256xi32>
    %swap3A_510 = vector.shape_cast %swap3A_509 : vector<1x1x256xi32> to vector<256xi32>
    %swap3A_511 = vector.shape_cast %reduce_sum3A_506 : vector<256xi32> to vector<1x1x256xi32>
    tpu.vector_store %arg3[%swap3A, %swap3A_507, %swap3A_508], %swap3A_511 {strides = array<i32>} : memref<1x1x256xi32, #tpu.memory_space<vmem>>, vector<1x1x256xi32>,
    %jit3A_512 = arith.constant 1.000000e+00 : f32
    %jit3A_513 = arith.constant 0.000000e+00 : f32
    %broadcast_in_dim3A_514 = vector.broadcast %jit3A_512 : f32 to vector<1024x256xf32>
    %broadcast_in_dim3A_515 = vector.broadcast %jit3A_513 : f32 to vector<1024x256xf32>
    %select_n3A_516 = arith.select %eq3A_501, %broadcast_in_dim3A_514, %broadcast_in_dim3A_515 : vector<1024x256xi1>, vector<1024x256xf32>
    %dot_general3A_517 = arith.constant dense<0.000000e+00> : vector<256x4xf32>
    %dot_general3A_518 = tpu.matmul %select_n3A_516, %get3A_8, %dot_general3A_517 {dimension_numbers = #tpu.dot_dimension_numbers<[0], [0], [1], [1], [0, 1, 1, 1], [], []>, transpose_lhs_hint = false} : vector<1024x256xf32>, vector<1024x4xf32>, vector<256x4xf32> -> vector<256x4xf32>
    %swap3A_519 = arith.constant 0 : index
    %swap3A_520 = arith.constant 0 : index
    %swap3A_521 = arith.constant 0 : index
    %swap3A_522 = vector.load %arg4[%swap3A_519, %swap3A_520, %swap3A_521] : memref<1x256x4xf32, #tpu.memory_space<vmem>>, vector<1x256x4xf32>
    %swap3A_523 = vector.shape_cast %swap3A_522 : vector<1x256x4xf32> to vector<256x4xf32>
    %swap3A_524 = vector.shape_cast %dot_general3A_518 : vector<256x4xf32> to vector<1x256x4xf32>
    tpu.vector_store %arg4[%swap3A_519, %swap3A_520, %swap3A_521], %swap3A_524 {strides = array<i32>} : memref<1x256x4xf32, #tpu.memory_space<vmem>>, vector<1x256x4xf32>,
    return
  }
  func.func @transform_0(%arg0: i32) -> (i32, i32, i32) {
    %c0_i32 = arith.constant 0 : i32
    %c0_i32_0 = arith.constant 0 : i32
    %c0_i32_1 = arith.constant 0 : i32
    return %arg0, %c0_i32, %c0_i32_0 : i32, i32, i32
  }
  func.func @transform_1(%arg0: i32) -> (i32, i32, i32) {
    %c0_i32 = arith.constant 0 : i32
    %c0_i32_0 = arith.constant 0 : i32
    %c0_i32_1 = arith.constant 0 : i32
    return %arg0, %c0_i32, %c0_i32_0 : i32, i32, i32
  }
  func.func @transform_2(%arg0: i32) -> (i32, i32, i32) {
    %c0_i32 = arith.constant 0 : i32
    %c0_i32_0 = arith.constant 0 : i32
    %c0_i32_1 = arith.constant 0 : i32
    return %arg0, %c0_i32, %c0_i32_0 : i32, i32, i32
  }
  func.func @transform_3(%arg0: i32) -> (i32, i32, i32) {
    %c0_i32 = arith.constant 0 : i32
    %c0_i32_0 = arith.constant 0 : i32
    %c0_i32_1 = arith.constant 0 : i32
    return %arg0, %c0_i32, %c0_i32_0 : i32, i32, i32
  }
}

</mosaic_0001>

<sc_bundles>
// kernel: kernel.4.cloned.1.call-start
scs
__scs_entry_jumppad:
0x0: {  	(pc) =	sbr.rel $0x88, $3  }
0x1: {  	(tag) =	ssettag $0x0;
	lr =	simm.s32 $0x1  }
0x2: {  	[smem:$0x3F9E] =	sst lr;
	_ =	strace $0xD0000000  }
0x3: {  	_ = 	snop  }
0x4: {  	_ = 	snop  }
0x5: {  	_ = 	snop  }
0x6: {  	_ = 	snop  }
0x7: {  	_ = 	snop  }
__scs_overlays_trampoline_lowered:
0x8: {  	[smem:$0x3FAD] =	sst s0  }
0x9: {  	[smem:$0x3FAE] =	sst s1  }
0xa: {  	[smem:$0x3FAF] =	sst s2  }
0xb: {  	[smem:$0x3FB0] =	sst s3  }
0xc: {  	[smem:$0x3FB1] =	sst s4  }
0xd: {  	[smem:$0x3FB2] =	sst s5  }
0xe: {  	[smem:$0x3FB3] =	sst s6  }
0xf: {  	[smem:$0x3FB4] =	sst s7  }
0x10: {  	[smem:$0x3FB5] =	sst s8  }
0x11: {  	[smem:$0x3FB6] =	sst s9;
	s0 =	simm.s32 @!p0 $0x0  }
0x12: {  	s1 =	sld [smem:$0x3F9C];
	s0 =	simm.s32 @p0 $0x1  }
0x13: {  	[smem:$0x3FB7] =	sst s0;
	s0 =	simm.s32 @!p1 $0x0  }
0x14: {  	s2 =	sld [smem:$0x3F9B];
	s0 =	simm.s32 @p1 $0x1  }
0x15: {  	[smem:$0x3FB8] =	sst s0;
	s0 =	simm.s32 @!p2 $0x0  }
0x16: {  	s3 =	sld [smem:$0x3FDB];
	s0 =	simm.s32 @p2 $0x1  }
0x17: {  	s4 =	simm.s32 $0x1BF5;
	[smem:$0x3FBA] =	sst s0  }
0x18: {  	s0 =	sld [smem:$0x3F9D];
	_ =	swait.ge [sflag:s4], $0x0  }
0x19: {  	s7 =	sld [smem:$0x3F9E]  }
0x1a: {  	s8 =	sadd.s32 $0xFFFFE003, lr  }
0x1b: {  	s9 =	sadd.s32 $0xFFFFFEF7, lr;
	s5 =	simm.s32 $0xFFFFFFFF;
	p2 =	slt.u32 s8, $0xFFFFF086  }
0x1c: {  	p1 =	slt.u32 s9, $0xF7A;
	s5 =	simm.s32 @!p2 $0x0  }
0x1d: {  	s5 =	simm.s32 @p1 $0x1;
	p0 =	seq.s32 s7, s2  }
0x1e: {  	s7 =	smul.u32 @!p0 $0xF7A, s2;
	p2 =	seq.s32 @!p0 s5, $0x0  }
0x1f: {  	s9 =	smul.u32 $0xF7A, s1;
	s8 =	simm.s32 @!p0 $0x1BF5;
	p2 =	por !p2, p0  }
0x20: {  	[sflag:s8] =	ssyncset.s32 @!p0 $0xFFFFF086;
	s6 =	sadd.s32 @!p0 s3, s7;
	s7 =	simm.s32 @!p0 $0x108  }
0x21: {  	s3 =	sadd.s32 s3, s9;
	s6 =	sadd.s32 @!p0 $0x88, s6;
	s7 =	simm.s32 @p2 $0x1082  }
0x22: {  	[simem:s7], [sflag:s8] =	dma.local @!p0 [hbm:s6], $0xF7A  }
0x23: {  	s9 =	sor.u32 $0xD0000000, s2;
	s6 =	simm.s32 $0x108;
	_ =	swait.ge @!p0 [sflag:s8], $0x0  }
0x24: {  	s3 =	sadd.s32 $0x88, s3;
	s6 =	simm.s32 @!p1 $0x1082;
	[sflag:s4] =	ssyncset.s32 $0xFFFFF086  }
0x25: {  	[simem:s6], [sflag:s4] =	dma.local [hbm:s3], $0xF7A  }
0x26: {  	[smem:$0x3F9E] =	sst s1;
	(tag) =	ssettag s2;
	_ =	strace s9  }
0x27: {  	s1 =	sld [smem:$0x3FAE]  }
0x28: {  	s2 =	sld [smem:$0x3FAF]  }
0x29: {  	s4 =	sld [smem:$0x3FB1]  }
0x2a: {  	p0 =	seq.s32 s5, $0x0;
	s5 =	sld [smem:$0x3FB2]  }
0x2b: {  	s6 =	sld [smem:$0x3FB3]  }
0x2c: {  	s7 =	sld [smem:$0x3FB4]  }
0x2d: {  	s3 =	simm.s32 $0x108;
	s8 =	sld [smem:$0x3FB5]  }
0x2e: {  	s3 =	simm.s32 @!p0 $0x1082;
	s9 =	sld [smem:$0x3FB6]  }
0x2f: {  	lr =	sadd.s32 s0, s3;
	s0 =	sld [smem:$0x3FAD]  }
0x30: {  	s3 =	sld [smem:$0x3FB0]  }
0x31: {  	[smem:$0x3FB9] =	sst s10  }
0x32: {  	s10 =	sld [smem:$0x3FB7];
	_ =	sdelay $0x3  }
0x33: {  	p0 =	seq.s32 s10, $0x1;
	s10 =	sld [smem:$0x3FB9];
	_ =	sdelay $0x3  }
0x34: {  	[smem:$0x3FB9] =	sst s10  }
0x35: {  	s10 =	sld [smem:$0x3FB8];
	_ =	sdelay $0x3  }
0x36: {  	p1 =	seq.s32 s10, $0x1;
	s10 =	sld [smem:$0x3FB9];
	_ =	sdelay $0x3  }
0x37: {  	[smem:$0x3FB9] =	sst s10  }
0x38: {  	s10 =	sld [smem:$0x3FBA]  }
0x39: {  	_ = 	snop;
	(pc) =	sbr.ind lr, $3  }
0x3a: {  	_ = 	snop  }
0x3b: {  	_ = 	snop  }
0x3c: {  	p2 =	seq.s32 s10, $0x1;
	s10 =	sld [smem:$0x3FB9]  }
0x3d: {  	_ =	shalt  }
0x3e: {  	_ =	shalt  }
0x3f: {  	_ =	shalt  }
0x40: {  	_ =	shalt  }
0x41: {  	_ =	shalt  }
0x42: {  	_ =	shalt  }
0x43: {  	_ =	shalt  }
0x44: {  	_ =	shalt  }
0x45: {  	_ =	shalt  }
0x46: {  	_ =	shalt  }
0x47: {  	_ =	shalt  }
0x48: {  	_ =	shalt  }
0x49: {  	_ =	shalt  }
0x4a: {  	_ =	shalt  }
0x4b: {  	_ =	shalt  }
0x4c: {  	_ =	shalt  }
0x4d: {  	_ =	shalt  }
0x4e: {  	_ =	shalt  }
0x4f: {  	_ =	shalt  }
0x50: {  	_ =	shalt  }
0x51: {  	_ =	shalt  }
0x52: {  	_ =	shalt  }
0x53: {  	_ =	shalt  }
0x54: {  	_ =	shalt  }
0x55: {  	_ =	shalt  }
0x56: {  	_ =	shalt  }
0x57: {  	_ =	shalt  }
0x58: {  	_ =	shalt  }
0x59: {  	_ =	shalt  }
0x5a: {  	_ =	shalt  }
0x5b: {  	_ =	shalt  }
0x5c: {  	_ =	shalt  }
0x5d: {  	_ =	shalt  }
0x5e: {  	_ =	shalt  }
0x5f: {  	_ =	shalt  }
0x60: {  	_ =	shalt  }
0x61: {  	_ =	shalt  }
0x62: {  	_ =	shalt  }
0x63: {  	_ =	shalt  }
0x64: {  	_ =	shalt  }
0x65: {  	_ =	shalt  }
0x66: {  	_ =	shalt  }
0x67: {  	_ =	shalt  }
0x68: {  	_ =	shalt  }
0x69: {  	_ =	shalt  }
0x6a: {  	_ =	shalt  }
0x6b: {  	_ =	shalt  }
0x6c: {  	_ =	shalt  }
0x6d: {  	_ =	shalt  }
0x6e: {  	_ =	shalt  }
0x6f: {  	_ =	shalt  }
0x70: {  	_ =	shalt  }
0x71: {  	_ =	shalt  }
0x72: {  	_ =	shalt  }
0x73: {  	_ =	shalt  }
0x74: {  	_ =	shalt  }
0x75: {  	_ =	shalt  }
0x76: {  	_ =	shalt  }
0x77: {  	_ =	shalt  }
0x78: {  	_ =	shalt  }
0x79: {  	_ =	shalt  }
0x7a: {  	_ =	shalt  }
0x7b: {  	_ =	shalt  }
0x7c: {  	_ =	shalt  }
0x7d: {  	_ =	shalt  }
0x7e: {  	_ =	shalt  }
0x7f: {  	_ =	shalt  }
0x80: {  	_ =	shalt  }
0x81: {  	_ =	shalt  }
0x82: {  	_ =	shalt  }
0x83: {  	_ =	shalt  }
0x84: {  	_ =	shalt  }
0x85: {  	_ =	shalt  }
0x86: {  	_ =	shalt  }
0x87: {  	_ =	shalt  }
.Lfunc_end0:
.L_simem_size_0:
called_computation_lowered:
.L_overlay_start_0:
0x88: {  	s2 =	sld [smem:$0x3FD9]  }
0x89: {  	s3 =	sld [smem:$0x3FFE];
	_ =	sdelay $0x1  }
0x8a: {  	s1 =	srdreg.scid  }
0x8b: {  	s0 =	sand.u32 $0x1, s1  }
0x8c: {  	s14 =	sshll.u32 s0, $0xA;
	s2 =	sadd.s32 s3, s2  }
0x8d: {  	s2 =	sadd.s32 s2, s14  }
0x8e: {  	[smem:$0x3FC5] =	sst s2  }
0x8f: {  	_ = 	snop  }
0x90: {  	s2 =	sld [smem:$0x3FD0];
	_ =	sdelay $0x2  }
0x91: {  	s4 =	simm.s32 $0xA;
	s5 =	simm.s32 $0x10;
	s15 =	sld [smem:$0x3FC9]  }
0x92: {  	[smem:s5], [sflag:s4] =	dma.local [hbm:s2], $0x1  }
0x93: {  	_ =	swait.eq [sflag:s4], $0x1  }
0x94: {  	[sflag:s4] =	ssyncset.done $0x0  }
0x95: {  	[sflag:s4] =	ssyncadd.s32 $0xFFFFFFFF  }
0x96: {  	s16 =	sld [smem:$0x10];
	(tm) =	ssettm $0x1  }
0x97: {  	s17 =	sld [smem:$0x3FFB];
	_ =	sdelay $0x3  }
0x98: {  	_ =	strace s17  }
0x99: {  	s4 =	sld [smem:$0x3FFC];
	_ =	sdelay $0x3  }
0x9a: {  	_ =	strace s4  }
0x9b: {  	s4 =	sld [smem:$0x3FFD];
	_ =	sdelay $0x3  }
0x9c: {  	_ =	strace s4  }
0x9d: {  	_ =	strace $0x8FFFFFFF  }
0x9e: {  	s18 =	sld [smem:$0x3FDB];
	_ =	sdelay $0x1  }
0x9f: {  	s19 =	simm.s32 $_scs_section_size  }
0xa0: {  	s6 =	simm.s32 $_size__tile_overlayer_lowered;
	s7 =	simm.s32 $_tile_overlayer_lowered  }
0xa1: {  	s22 =	simm.s32 $0x1BFF;
	s21 =	sshll.u32 s7, $0x1;
	s4 =	sadd.s32 s19, s18  }
0xa2: {  	s8 =	simm.s32 $0x0;
	s20 =	sshll.u32 s6, $0x1;
	s6 =	sadd.s32 s21, s4  }
0xa3: {  	[timem:s8], [sflag:s22] =	dma.local [hbm:s6], s20  }
0xa4: {  	_ =	swait.ge [sflag:s22], s20  }
0xa5: {  	s5 =	ssub.s32 $0x0, s20;
	[sflag:s22] =	ssyncset.done $0x0  }
0xa6: {  	[sflag:s22] =	ssyncadd.s32 s5;
	_ =	sdelay $0x1  }
0xa7: {  	s23 =	simm.s32 $0x1B8B  }
0xa8: {  	_ =	swait.ge [sflag:s23], $0x1  }
0xa9: {  	[sflag:s23] =	ssyncset.done $0x0  }
0xaa: {  	s25 =	simm.s32 $0x1B8E;
	s24 =	sld [smem:$0x3FFE];
	[sflag:s23] =	ssyncadd.s32 $0xFFFFFFFF  }
0xab: {  	s26 =	simm.s32 $execute0_lowered;
	[smem:$0x3FD2] =	sst s25  }
0xac: {  	s6 =	sshll.u32 s26, $0x1;
	_ =	strace $0x80000046;
	[dreg:$0x1] =	wrdreg $0xFFFFFFFF  }
0xad: {  	s28 =	simm.s32 $_size_execute0_lowered;
	s4 =	sadd.s32 s4, s6;
	[dreg:$0x0] =	wrdreg $0x0  }
0xae: {  	s6 =	sshll.u32 s28, $0x1;
	[dreg:$0x2] =	wrdreg s4  }
0xaf: {  	[dreg:$0x3] =	wrdreg s6  }
0xb0: {  	[dreg:$0x4] =	wrdreg $0xC0  }
0xb1: {  	_ =	task [dreg:s8], $0x5FFFF  }
0xb2: {  	[dreg:$0x1] =	wrdreg $0xFFFFFFFF  }
0xb3: {  	[dreg:$0x0] =	wrdreg $0x60  }
0xb4: {  	[dreg:$0x2] =	wrdreg s15  }
0xb5: {  	[dreg:$0x3] =	wrdreg s16  }
0xb6: {  	[dreg:$0x4] =	wrdreg s24  }
0xb7: {  	[dreg:$0x5] =	wrdreg $0x9  }
0xb8: {  	_ =	task.clear_ibuf [dreg:s8], $0x6FFFF;
	_ =	strace $0x90000046  }
0xb9: {  	s29 =	simm.s32 $0x9;
	_ =	strace $0x80000048  }
0xba: {  	_ =	swait.ge [sflag:s29], $0x1  }
0xbb: {  	[sflag:s29] =	ssyncadd.s32 $0xFFFFFFFF  }
0xbc: {  	_ =	strace $0x90000048  }
0xbd: {  	_ =	sfence  }
0xbe: {  	s30 =	sld [smem:$0x0];
	_ =	sdelay $0x2  }
0xbf: {  	s31 =	sshll.u32 s1, $0xD;
	s1 =	sshrl.u32 s1, $0x2  }
0xc0: {  	s3 =	sand.u32 $0x4000, s31;
	s1 =	sadd.s32 s1, s30  }
0xc1: {  	s0 =	sor.u32 s3, s0;
	s1 =	sshll.u32 s1, $0x11  }
0xc2: {  	s0 =	sor.u32 s1, s0  }
0xc3: {  	s0 =	sadd.s32 $0x8F2B, s0  }
0xc4: {  	[sflag:s0] =	ssyncadd.remote.s32 $0x1  }
0xc5: {  	_ =	sfence.sel $0xFFFF  }
0xc6: {  	[dreg:$0x0] =	wrdreg $0xFFFFFFFF;
	(pc) =	sbr.abs _section_cstart, $3  }
0xc7: {  	[dreg:$0x1] =	wrdreg $0xFFFFFFFF  }
0xc8: {  	_ =	task.clear_ibuf [dreg:s8], $0x2FFFF;
	_ =	strace $0x9FFFFFFF  }
0xc9: {  	(tm) =	ssettm $0x7FFFFFFF  }
tec
execute0_lowered:
.L_overlay_start_1:
0x0: {  	(tag) =	ssettag $0x1  }
0x1: {  	s1 =	rddreg [dreg:$0x0]  }
0x2: {  	s4 =	rddreg [dreg:$0x1]  }
0x3: {  	s5 =	rddreg [dreg:$0x2];
	s3 =	srdreg.scid  }
0x4: {  	s0 =	rddreg [dreg:$0x3];
	s2 =	stileid.u32  }
0x5: {  	s12 =	simm.s32 $0xC80;
	s13 =	simm.s32 $0x1480;
	s14 =	simm.s32 $0x1880  }
0x6: {  	s15 =	simm.s32 $0x2080;
	s16 =	simm.s32 $0x2480;
	s17 =	simm.s32 $0x2C80  }
0x7: {  	s18 =	simm.s32 $0x3080;
	s19 =	simm.s32 $0x3880;
	s20 =	simm.s32 $0x3C80  }
0x8: {  	s21 =	simm.s32 $0x4480;
	s22 =	simm.s32 $0x4880;
	s23 =	simm.s32 $0x5080  }
0x9: {  	s24 =	simm.s32 $0x5480;
	s25 =	simm.s32 $0x5C80;
	s6 =	sand.u32 $0x1, s3  }
0xa: {  	s26 =	simm.s32 $0x1;
	s7 =	sshll.u32 s2, $0x4;
	s8 =	sshll.u32 s6, $0x3  }
0xb: {  	s28 =	simm.s32 $0x2;
	s3 =	simm.s32 $0x0;
	s7 =	sor.u32 s8, s7  }
0xc: {  	s9 =	sadd.s32 $0x200, s5;
	s6 =	ssub.s32 $0x2, s6;
	s8 =	smul.u32 $0xC00, s7  }
0xd: {  	[smem:$0x7FF] =	sst s3;
	s30 =	sshrl.u32 s6, $0x1;
	s10 =	smul.u32 $0x180, s7  }
0xe: {  	s5 =	sadd.s32 $0x100, s1;
	_ =	strace $0x80000047;
	s11 =	ssub.s32 s6, s30  }
0xf: {  	v2 =	vlaneseq.u32;
	s4 =	sadd.s32 s4, s7;
	s31 =	sshrl.u32 s8, $0x3;
	s6 =	sadd.s32 s9, s10  }
0x10: {  	vm0 =	vmmov $0xffff;
	vm1 =	vmmov $0xff;
	v1 =	vshrl.u32 v2, $0x3;
	s8 =	smax.u32 s11, $0x1;
	s10 =	simm.s32 $0x80;
	s7 =	sadd.s32 s9, s31  }
0x11: {  	v0 =	vand.u32 $0x7, v2;
	v2 =	vor.u32 $0x8, v2;
	v1 =	vmul.u32 $0x8, v1;
	s11 =	simm.s32 $0x880;
	s9 =	simm.s32 $0x3;
	s7 =	sadd.s32 $0x600, s7  }
.LBB2_1:
0x12: {  	[tilespmem:s3], [sflag:$0x3] =	stream.linear.gather [hbm4b:s4+s3], $0x40, $0x38;
	[tilespmem:$0x6080] =	vst v63  }
0x13: {  	_ =	swait.ge [sflag:s9], $0x40  }
0x14: {  	[sflag:s9] =	ssyncset.done $0x0  }
0x15: {  	[sflag:s9] =	ssyncadd.s32 $0xFFFFFFC0  }
0x16: {  	v3 =	vld [tilespmem:$0x0];
	_ =	sdelay $0x4  }
0x17: {  	v4 =	vshrl.u32 v3, $0x3  }
0x18: {  	v4 =	vmul.u32 $0x18, v4  }
0x19: {  	v3 =	vand.u32 $0x7, v3  }
0x1a: {  	v3 =	vor.u32 v3, v4  }
0x1b: {  	v4 =	vperm.xlane v3, v0;
	_ =	sdelay $0x1  }
0x1c: {  	v4 =	vadd.s32 v1, v4;
	_ =	sdelay $0x1  }
0x1d: {  	v3 =	vperm.xlane v3, v2;
	_ =	sdelay $0x1  }
0x1e: {  	v3 =	vadd.s32 v1, v3  }
0x1f: {  	[tilespmem:s10], [sflag:$0x1] =	stream.indirect_vreg.gather [hbm4b:s1+s3], $0x80, v4, vm0, $0xb8;
	[tilespmem:$0x6080] =	vst v63  }
0x20: {  	_ = 	snop  }
0x21: {  	[tilespmem:s11], [sflag:$0x1] =	stream.indirect_vreg.gather [hbm4b:s5+s3], $0x80, v4, vm1, $0xb8;
	[tilespmem:$0x6080] =	vst v63  }
0x22: {  	_ = 	snop  }
0x23: {  	[tilespmem:s12], [sflag:$0x1] =	stream.indirect_vreg.gather [hbm4b:s1+s3], $0x80, v3, vm0, $0xb8;
	[tilespmem:$0x6080] =	vst v63  }
0x24: {  	_ = 	snop  }
0x25: {  	[tilespmem:s13], [sflag:$0x1] =	stream.indirect_vreg.gather [hbm4b:s5+s3], $0x80, v3, vm1, $0xb8;
	[tilespmem:$0x6080] =	vst v63  }
0x26: {  	v3 =	vld [tilespmem:$0x10];
	_ =	sdelay $0x4  }
0x27: {  	v61 =	vshrl.u32 v3, $0x3  }
0x28: {  	v4 =	vmul.u32 $0x18, v61  }
0x29: {  	v3 =	vand.u32 $0x7, v3  }
0x2a: {  	v3 =	vor.u32 v3, v4  }
0x2b: {  	v4 =	vperm.xlane v3, v0;
	_ =	sdelay $0x1  }
0x2c: {  	v4 =	vadd.s32 v1, v4;
	_ =	sdelay $0x1  }
0x2d: {  	v3 =	vperm.xlane v3, v2;
	_ =	sdelay $0x1  }
0x2e: {  	v3 =	vadd.s32 v1, v3  }
0x2f: {  	[tilespmem:s14], [sflag:$0x1] =	stream.indirect_vreg.gather [hbm4b:s1+s3], $0x80, v4, vm0, $0xb8;
	[tilespmem:$0x6080] =	vst v63  }
0x30: {  	_ = 	snop  }
0x31: {  	[tilespmem:s15], [sflag:$0x1] =	stream.indirect_vreg.gather [hbm4b:s5+s3], $0x80, v4, vm1, $0xb8;
	[tilespmem:$0x6080] =	vst v63  }
0x32: {  	_ = 	snop  }
0x33: {  	[tilespmem:s16], [sflag:$0x1] =	stream.indirect_vreg.gather [hbm4b:s1+s3], $0x80, v3, vm0, $0xb8;
	[tilespmem:$0x6080] =	vst v63  }
0x34: {  	_ = 	snop  }
0x35: {  	[tilespmem:s17], [sflag:$0x1] =	stream.indirect_vreg.gather [hbm4b:s5+s3], $0x80, v3, vm1, $0xb8;
	[tilespmem:$0x6080] =	vst v63  }
0x36: {  	v3 =	vld [tilespmem:$0x20];
	_ =	sdelay $0x4  }
0x37: {  	v62 =	vshrl.u32 v3, $0x3  }
0x38: {  	v4 =	vmul.u32 $0x18, v62  }
0x39: {  	v3 =	vand.u32 $0x7, v3  }
0x3a: {  	v3 =	vor.u32 v3, v4  }
0x3b: {  	v4 =	vperm.xlane v3, v0;
	_ =	sdelay $0x1  }
0x3c: {  	v4 =	vadd.s32 v1, v4;
	_ =	sdelay $0x1  }
0x3d: {  	v3 =	vperm.xlane v3, v2;
	_ =	sdelay $0x1  }
0x3e: {  	v3 =	vadd.s32 v1, v3  }
0x3f: {  	[tilespmem:s18], [sflag:$0x2] =	stream.indirect_vreg.gather [hbm4b:s1+s3], $0x80, v4, vm0, $0xb8;
	[tilespmem:$0x6080] =	vst v63  }
0x40: {  	_ = 	snop  }
0x41: {  	[tilespmem:s19], [sflag:$0x2] =	stream.indirect_vreg.gather [hbm4b:s5+s3], $0x80, v4, vm1, $0xb8;
	[tilespmem:$0x6080] =	vst v63  }
0x42: {  	_ = 	snop  }
0x43: {  	[tilespmem:s20], [sflag:$0x2] =	stream.indirect_vreg.gather [hbm4b:s1+s3], $0x80, v3, vm0, $0xb8;
	[tilespmem:$0x6080] =	vst v63  }
0x44: {  	_ = 	snop  }
0x45: {  	[tilespmem:s21], [sflag:$0x2] =	stream.indirect_vreg.gather [hbm4b:s5+s3], $0x80, v3, vm1, $0xb8;
	[tilespmem:$0x6080] =	vst v63  }
0x46: {  	v3 =	vld [tilespmem:$0x30];
	_ =	sdelay $0x4  }
0x47: {  	v63 =	vshrl.u32 v3, $0x3  }
0x48: {  	v4 =	vmul.u32 $0x18, v63  }
0x49: {  	v3 =	vand.u32 $0x7, v3  }
0x4a: {  	v3 =	vor.u32 v3, v4  }
0x4b: {  	v4 =	vperm.xlane v3, v0;
	_ =	sdelay $0x1  }
0x4c: {  	v4 =	vadd.s32 v1, v4;
	_ =	sdelay $0x1  }
0x4d: {  	v3 =	vperm.xlane v3, v2;
	_ =	sdelay $0x1  }
0x4e: {  	v3 =	vadd.s32 v1, v3  }
0x4f: {  	[tilespmem:s22], [sflag:$0x2] =	stream.indirect_vreg.gather [hbm4b:s1+s3], $0x80, v4, vm0, $0xb8;
	[tilespmem:$0x6080] =	vst v63  }
0x50: {  	_ = 	snop  }
0x51: {  	[tilespmem:s23], [sflag:$0x2] =	stream.indirect_vreg.gather [hbm4b:s5+s3], $0x80, v4, vm1, $0xb8;
	[tilespmem:$0x6080] =	vst v63  }
0x52: {  	_ = 	snop  }
0x53: {  	[tilespmem:s24], [sflag:$0x2] =	stream.indirect_vreg.gather [hbm4b:s1+s3], $0x80, v3, vm0, $0xb8;
	[tilespmem:$0x6080] =	vst v63  }
0x54: {  	_ = 	snop  }
0x55: {  	[tilespmem:s25], [sflag:$0x2] =	stream.indirect_vreg.gather [hbm4b:s5+s3], $0x80, v3, vm1, $0xb8;
	[tilespmem:$0x6080] =	vst v63  }
0x56: {  	_ =	swait.ge [sflag:s26], $0x3000  }
0x57: {  	[sflag:s26] =	ssyncset.done $0x0  }
0x58: {  	[sflag:s26] =	ssyncadd.s32 $0xFFFFD000  }
0x59: {  	[hbm4b:s6+s3] =	stream.linear.scatter [tilespmem:s10], [sflag:$0x1], $0x3000, $0x38;
	[tilespmem:$0x6080] =	vst v63  }
0x5a: {  	_ =	swait.ge [sflag:s28], $0x3000  }
0x5b: {  	[sflag:s28] =	ssyncset.done $0x0  }
0x5c: {  	[sflag:s28] =	ssyncadd.s32 $0xFFFFD000  }
0x5d: {  	[hbm4b:s7+s3] =	stream.linear.scatter [tilespmem:s18], [sflag:$0x2], $0x3000, $0x38;
	[tilespmem:$0x6080] =	vst v63  }
0x5e: {  	p0 =	sne.s32 s8, $0x1;
	_ =	swait.ge [sflag:s26], $0x3000  }
.Ltmp0:
0x5f: {  	[sflag:s26] =	ssyncset.done $0x0;
	(pc) =	sbr.rel @p0 .LBB2_1-.Ltmp0, $4  }
0x60: {  	[sflag:s26] =	ssyncadd.s32 $0xFFFFD000  }
0x61: {  	_ =	swait.ge [sflag:s28], $0x3000  }
0x62: {  	[sflag:s28] =	ssyncset.done $0x0  }
0x63: {  	s8 =	sadd.s32 $0xFFFFFFFF, s8;
	[sflag:s28] =	ssyncadd.s32 $0xFFFFD000  }
0x64: {  	_ =	sfence.sel $0x180000  }
0x65: {  	[bflag:$0x0] =	sbarrier.arrive $0xFFFF  }
0x66: {  	p0 =	sne.s32 s2, $0x0;
	_ =	strace $0x90000047  }
0x67: {  	s0 =	sadd.s32 @!p0 $0x100000, s0;
	[bflag:$0x2] =	sbarrier.arrive $0xFFFF  }
0x68: {  	[sflag:s0] =	ssyncadd.tile.s32 @!p0 $0x1;
	_ =	shalt  }
.Lfunc_end2:
_tile_overlayer_lowered:
.L_overlay_start_2:
0x69: {  	(tag) =	ssettag $0x2  }
0x6a: {  	s0 =	rddreg [dreg:$0x0];
	s2 =	stileid.u32  }
0x6b: {  	s1 =	rddreg [dreg:$0x1];
	p0 =	sne.s32 s2, $0x0  }
0x6c: {  	s3 =	rddreg [dreg:$0x2];
	[bflag:$0x3] =	sbarrier.arrive $0xFFFF;
	s2 =	simm.s32 @!p0 $0x1C03  }
0x6d: {  	[timem:s3], [sflag:s2] =	dma.local @!p0 [hbm:s0], s1  }
0x6e: {  	s0 =	simm.s32 @!p0 $0x3  }
0x6f: {  	_ =	swait.ge @!p0 [sflag:s0], s1  }
0x70: {  	s1 =	ssub.s32 @!p0 $0x0, s1;
	[sflag:s0] =	ssyncset.done @!p0 $0x0  }
0x71: {  	[sflag:s0] =	ssyncadd.s32 @!p0 s1  }
0x72: {  	[bflag:$0x3] =	sbarrier.arrive $0xFFFF  }
0x73: {  	_ =	shalt  }

</sc_bundles>
